<compile_context>
chip_gen: v7x
topology: tpu7x:2x2x1
jax: 0.10.2.dev20260603
libtpu: 0.0.44.dev20260713+nightly
codegen_flags: <defaults>
</compile_context>

<pallas_src>
import functools

import jax
import jax.numpy as jnp
from jax import lax
from jax.experimental import pallas as pl
from jax.experimental.pallas import tpu as pltpu
from jax.experimental.pallas import tpu_sc as plsc

_N = 512
_D = 128
_K = 10
_T = 2 * _K + 1
_NC = 2
_RPC = _N // _NC
_LO = _N - 11
_S = 64
_RF = _LO + _T
_EARLY = _K + 1


@functools.partial(
    pl.kernel,
    out_type=jax.ShapeDtypeStruct((_N, _N, _D), jnp.float32),
    mesh=plsc.ScalarSubcoreMesh(axis_name="c", num_cores=_NC),
    scratch_types=[
        pltpu.VMEM_SHARED((_RF + 8 + 8 * _S, _D), jnp.float32),
        pltpu.SemaphoreType.DMA,
        pltpu.SemaphoreType.DMA,
    ],
)
def _sc_band_fill(table_hbm, out_hbm, b_sh, sem, fsem):
    cid = lax.axis_index("c")
    r0 = cid * _RPC
    lscr = out_hbm.at[r0 + _EARLY]
    rscr = out_hbm.at[r0 + _EARLY + 1]
    pltpu.sync_copy(table_hbm, b_sh.at[pl.ds(_LO, _T)])
    cs = []
    for k in range(8):
        cs.append(
            pltpu.async_copy(b_sh.at[pl.ds(_LO, 1)], b_sh.at[pl.ds(k, 1)], fsem)
        )
        cs.append(
            pltpu.async_copy(
                b_sh.at[pl.ds(_LO + _T - 1, 1)], b_sh.at[pl.ds(_RF + k, 1)], fsem
            )
        )
    for c in cs:
        c.wait()
    cs = []
    for k in range(_S // 8):
        cs.append(
            pltpu.async_copy(b_sh.at[pl.ds(0, 8)], lscr.at[pl.ds(8 * k, 8)], fsem)
        )
        cs.append(
            pltpu.async_copy(
                b_sh.at[pl.ds(_RF, 8)], rscr.at[pl.ds(8 * k, 8)], fsem
            )
        )
    for c in cs:
        c.wait()

    def read_right_flank():
        cs = [
            pltpu.async_copy(
                rscr.at[pl.ds(0, _S)], b_sh.at[pl.ds(_RF + 8 + _S * k, _S)], fsem
            )
            for k in range(8)
        ]
        return cs

    def read_left_flank():
        cs = [
            pltpu.async_copy(
                lscr.at[pl.ds(0, _S)], b_sh.at[pl.ds(8 + _S * k, _S)], fsem
            )
            for k in range(7)
        ]
        cs.append(
            pltpu.async_copy(
                lscr.at[pl.ds(0, 32)], b_sh.at[pl.ds(8 + 7 * _S, 32)], fsem
            )
        )
        cs.append(
            pltpu.async_copy(b_sh.at[pl.ds(0, 8)], b_sh.at[pl.ds(488, 8)], fsem)
        )
        cs.append(
            pltpu.async_copy(b_sh.at[pl.ds(0, 5)], b_sh.at[pl.ds(496, 5)], fsem)
        )
        return cs

    def issue_rows(lo, hi):
        def issue(i, carry):
            row = r0 + i
            pltpu.async_copy(
                b_sh.at[pl.ds(_N - 1 - row, _N)], out_hbm.at[row], sem
            )
            return carry

        lax.fori_loop(lo, hi, issue, 0)

    @pl.when(cid == 0)
    def _():
        for c in read_right_flank():
            c.wait()
        issue_rows(0, _EARLY)
        for c in read_left_flank():
            c.wait()
        issue_rows(_EARLY, _RPC)

    @pl.when(cid == 1)
    def _():
        for c in read_left_flank():
            c.wait()
        issue_rows(_RPC - _EARLY, _RPC)
        for c in read_right_flank():
            c.wait()
        issue_rows(0, _RPC - _EARLY)

    def drain(i, carry):
        pltpu.make_async_copy(
            out_hbm.at[0], b_sh.at[pl.ds(0, _N)], sem
        ).wait()
        return carry

    lax.fori_loop(0, _RPC, drain, 0)


def kernel(num_nodes, table):
    del num_nodes
    return _sc_band_fill(table)

# --- scband reference (transcript-rebuilt; emitter-appended) ---
"""Pipeline reference for scband-structural-encoding-30666066494123 (READ-ONLY COPY).

The authoritative reference and input builder live on the scoring server;
editing this copy changes nothing except your own understanding.
"""

import jax, jax.numpy as jnp
import numpy as np

NUM_NODES = 512
D_MODEL = 128
MAX_REL = 10


def setup_inputs(seed: int = 0) -> dict:
    key = jax.random.key(seed)
    # learned parameter: relative position embedding table [2*MAX_REL+1, d_model]
    table = jax.random.normal(key, (2 * MAX_REL + 1, D_MODEL), dtype=jnp.float32) * 0.02
    return {"num_nodes": NUM_NODES, "table": table}


def reference(num_nodes, table):
    # Faithful translation of StructuralEncoding.forward: the networkx graph is
    # only used for its node count; rel_pos_matrix[i, j] = clip(j - i, -k, k) + k.
    k = MAX_REL
    idx = jnp.arange(NUM_NODES, dtype=jnp.int32)
    idx = idx + (jnp.asarray(num_nodes, dtype=jnp.int32) - jnp.int32(NUM_NODES))
    rel = idx[None, :] - idx[:, None]          # [N, N], value j - i
    rel = jnp.clip(rel, -k, k) + k             # shift into [0, 2k]
    # embedding lookup -> [N, N, d_model]
    out = jnp.take(table, rel, axis=0)
    return out

if __name__ == "__main__":
    import jax
    _d = setup_inputs()
    print(jax.jit(kernel)(*tuple(_d.values())))

</pallas_src>

<mosaic_0001>
#map = affine_map<(d0) -> (0, 0)>
#map1 = affine_map<(d0) -> (0, 0, 0)>
module attributes {stable_mosaic.version = 14 : i64} {
  func.func @_sc_band_fill(%arg0: i32, %arg1: memref<21x128xf32, #tpu.memory_space<hbm>>, %arg2: memref<512x512x128xf32, #tpu.memory_space<hbm>>, %arg3: memref<1042x128xf32, #tpu.memory_space<vmem_shared>>, %arg4: memref<!tpu.dma_semaphore, #tpu.memory_space<semaphore_mem>>, %arg5: memref<!tpu.dma_semaphore, #tpu.memory_space<semaphore_mem>>) attributes {dimension_semantics = [#tpu.dimension_semantics<core_parallel>], iteration_bounds = array<i64: 2>, scalar_prefetch = 0 : i64, scratch_operands = 3 : i64, tpu.core_type = #tpu.core_type<sc_scalar_subcore>, window_params = [{transform_indices = #map}, {transform_indices = #map1}]} {
    %mul3A = arith.constant 256 : i32
    %mul3A_0 = arith.muli %arg0, %mul3A : i32
    %add3A = arith.constant 11 : i32
    %add3A_1 = arith.addi %mul3A_0, %add3A : i32
    %add3A_2 = arith.constant 11 : i32
    %add3A_3 = arith.addi %mul3A_0, %add3A_2 : i32
    %add3A_4 = arith.constant 1 : i32
    %add3A_5 = arith.addi %add3A_3, %add3A_4 : i32
    "tpu.region"() ({
      %run_scoped3A = tpu.sem_alloc : memref<!tpu.dma_semaphore, #tpu.memory_space<semaphore_mem>>
      %dma_start3A_528 = arith.constant 501 : i32
      %dma_start3A_529 = arith.constant 0 : i32
      %dma_start3A_530 = tpu.memref_slice %arg3[%dma_start3A_528, %dma_start3A_529] : memref<1042x128xf32, #tpu.memory_space<vmem_shared>> -> memref<21x128xf32, #tpu.memory_space<vmem_shared>>
      tpu.enqueue_dma source(%arg1 : memref<21x128xf32, #tpu.memory_space<hbm>>) target(%dma_start3A_530 : memref<21x128xf32, #tpu.memory_space<vmem_shared>>) target_semaphore(%run_scoped3A : memref<!tpu.dma_semaphore, #tpu.memory_space<semaphore_mem>>)
      %dma_wait3A_531 = arith.constant 501 : i32
      %dma_wait3A_532 = arith.constant 0 : i32
      %dma_wait3A_533 = tpu.memref_slice %arg3[%dma_wait3A_531, %dma_wait3A_532] : memref<1042x128xf32, #tpu.memory_space<vmem_shared>> -> memref<21x128xf32, #tpu.memory_space<vmem_shared>>
      tpu.wait_dma2 semaphore(%run_scoped3A : memref<!tpu.dma_semaphore, #tpu.memory_space<semaphore_mem>>) src(%arg1 : memref<21x128xf32, #tpu.memory_space<hbm>>) dst(%dma_wait3A_533 : memref<21x128xf32, #tpu.memory_space<vmem_shared>>)
      tpu.yield
    }) : () -> ()
    %dma_start3A = arith.constant 0 : i32
    %dma_start3A_6 = arith.constant 0 : i32
    %dma_start3A_7 = tpu.memref_slice %arg3[%dma_start3A, %dma_start3A_6] : memref<1042x128xf32, #tpu.memory_space<vmem_shared>> -> memref<1x128xf32, #tpu.memory_space<vmem_shared>>
    %dma_start3A_8 = arith.constant 501 : i32
    %dma_start3A_9 = arith.constant 0 : i32
    %dma_start3A_10 = tpu.memref_slice %arg3[%dma_start3A_8, %dma_start3A_9] : memref<1042x128xf32, #tpu.memory_space<vmem_shared>> -> memref<1x128xf32, #tpu.memory_space<vmem_shared>>
    tpu.enqueue_dma source(%dma_start3A_10 : memref<1x128xf32, #tpu.memory_space<vmem_shared>>) target(%dma_start3A_7 : memref<1x128xf32, #tpu.memory_space<vmem_shared>>) target_semaphore(%arg5 : memref<!tpu.dma_semaphore, #tpu.memory_space<semaphore_mem>>)
    %dma_start3A_11 = arith.constant 522 : i32
    %dma_start3A_12 = arith.constant 0 : i32
    %dma_start3A_13 = tpu.memref_slice %arg3[%dma_start3A_11, %dma_start3A_12] : memref<1042x128xf32, #tpu.memory_space<vmem_shared>> -> memref<1x128xf32, #tpu.memory_space<vmem_shared>>
    %dma_start3A_14 = arith.constant 521 : i32
    %dma_start3A_15 = arith.constant 0 : i32
    %dma_start3A_16 = tpu.memref_slice %arg3[%dma_start3A_14, %dma_start3A_15] : memref<1042x128xf32, #tpu.memory_space<vmem_shared>> -> memref<1x128xf32, #tpu.memory_space<vmem_shared>>
    tpu.enqueue_dma source(%dma_start3A_16 : memref<1x128xf32, #tpu.memory_space<vmem_shared>>) target(%dma_start3A_13 : memref<1x128xf32, #tpu.memory_space<vmem_shared>>) target_semaphore(%arg5 : memref<!tpu.dma_semaphore, #tpu.memory_space<semaphore_mem>>)
    %dma_start3A_17 = arith.constant 1 : i32
    %dma_start3A_18 = arith.constant 0 : i32
    %dma_start3A_19 = tpu.memref_slice %arg3[%dma_start3A_17, %dma_start3A_18] : memref<1042x128xf32, #tpu.memory_space<vmem_shared>> -> memref<1x128xf32, #tpu.memory_space<vmem_shared>>
    %dma_start3A_20 = arith.constant 501 : i32
    %dma_start3A_21 = arith.constant 0 : i32
    %dma_start3A_22 = tpu.memref_slice %arg3[%dma_start3A_20, %dma_start3A_21] : memref<1042x128xf32, #tpu.memory_space<vmem_shared>> -> memref<1x128xf32, #tpu.memory_space<vmem_shared>>
    tpu.enqueue_dma source(%dma_start3A_22 : memref<1x128xf32, #tpu.memory_space<vmem_shared>>) target(%dma_start3A_19 : memref<1x128xf32, #tpu.memory_space<vmem_shared>>) target_semaphore(%arg5 : memref<!tpu.dma_semaphore, #tpu.memory_space<semaphore_mem>>)
    %dma_start3A_23 = arith.constant 523 : i32
    %dma_start3A_24 = arith.constant 0 : i32
    %dma_start3A_25 = tpu.memref_slice %arg3[%dma_start3A_23, %dma_start3A_24] : memref<1042x128xf32, #tpu.memory_space<vmem_shared>> -> memref<1x128xf32, #tpu.memory_space<vmem_shared>>
    %dma_start3A_26 = arith.constant 521 : i32
    %dma_start3A_27 = arith.constant 0 : i32
    %dma_start3A_28 = tpu.memref_slice %arg3[%dma_start3A_26, %dma_start3A_27] : memref<1042x128xf32, #tpu.memory_space<vmem_shared>> -> memref<1x128xf32, #tpu.memory_space<vmem_shared>>
    tpu.enqueue_dma source(%dma_start3A_28 : memref<1x128xf32, #tpu.memory_space<vmem_shared>>) target(%dma_start3A_25 : memref<1x128xf32, #tpu.memory_space<vmem_shared>>) target_semaphore(%arg5 : memref<!tpu.dma_semaphore, #tpu.memory_space<semaphore_mem>>)
    %dma_start3A_29 = arith.constant 2 : i32
    %dma_start3A_30 = arith.constant 0 : i32
    %dma_start3A_31 = tpu.memref_slice %arg3[%dma_start3A_29, %dma_start3A_30] : memref<1042x128xf32, #tpu.memory_space<vmem_shared>> -> memref<1x128xf32, #tpu.memory_space<vmem_shared>>
    %dma_start3A_32 = arith.constant 501 : i32
    %dma_start3A_33 = arith.constant 0 : i32
    %dma_start3A_34 = tpu.memref_slice %arg3[%dma_start3A_32, %dma_start3A_33] : memref<1042x128xf32, #tpu.memory_space<vmem_shared>> -> memref<1x128xf32, #tpu.memory_space<vmem_shared>>
    tpu.enqueue_dma source(%dma_start3A_34 : memref<1x128xf32, #tpu.memory_space<vmem_shared>>) target(%dma_start3A_31 : memref<1x128xf32, #tpu.memory_space<vmem_shared>>) target_semaphore(%arg5 : memref<!tpu.dma_semaphore, #tpu.memory_space<semaphore_mem>>)
    %dma_start3A_35 = arith.constant 524 : i32
    %dma_start3A_36 = arith.constant 0 : i32
    %dma_start3A_37 = tpu.memref_slice %arg3[%dma_start3A_35, %dma_start3A_36] : memref<1042x128xf32, #tpu.memory_space<vmem_shared>> -> memref<1x128xf32, #tpu.memory_space<vmem_shared>>
    %dma_start3A_38 = arith.constant 521 : i32
    %dma_start3A_39 = arith.constant 0 : i32
    %dma_start3A_40 = tpu.memref_slice %arg3[%dma_start3A_38, %dma_start3A_39] : memref<1042x128xf32, #tpu.memory_space<vmem_shared>> -> memref<1x128xf32, #tpu.memory_space<vmem_shared>>
    tpu.enqueue_dma source(%dma_start3A_40 : memref<1x128xf32, #tpu.memory_space<vmem_shared>>) target(%dma_start3A_37 : memref<1x128xf32, #tpu.memory_space<vmem_shared>>) target_semaphore(%arg5 : memref<!tpu.dma_semaphore, #tpu.memory_space<semaphore_mem>>)
    %dma_start3A_41 = arith.constant 3 : i32
    %dma_start3A_42 = arith.constant 0 : i32
    %dma_start3A_43 = tpu.memref_slice %arg3[%dma_start3A_41, %dma_start3A_42] : memref<1042x128xf32, #tpu.memory_space<vmem_shared>> -> memref<1x128xf32, #tpu.memory_space<vmem_shared>>
    %dma_start3A_44 = arith.constant 501 : i32
    %dma_start3A_45 = arith.constant 0 : i32
    %dma_start3A_46 = tpu.memref_slice %arg3[%dma_start3A_44, %dma_start3A_45] : memref<1042x128xf32, #tpu.memory_space<vmem_shared>> -> memref<1x128xf32, #tpu.memory_space<vmem_shared>>
    tpu.enqueue_dma source(%dma_start3A_46 : memref<1x128xf32, #tpu.memory_space<vmem_shared>>) target(%dma_start3A_43 : memref<1x128xf32, #tpu.memory_space<vmem_shared>>) target_semaphore(%arg5 : memref<!tpu.dma_semaphore, #tpu.memory_space<semaphore_mem>>)
    %dma_start3A_47 = arith.constant 525 : i32
    %dma_start3A_48 = arith.constant 0 : i32
    %dma_start3A_49 = tpu.memref_slice %arg3[%dma_start3A_47, %dma_start3A_48] : memref<1042x128xf32, #tpu.memory_space<vmem_shared>> -> memref<1x128xf32, #tpu.memory_space<vmem_shared>>
    %dma_start3A_50 = arith.constant 521 : i32
    %dma_start3A_51 = arith.constant 0 : i32
    %dma_start3A_52 = tpu.memref_slice %arg3[%dma_start3A_50, %dma_start3A_51] : memref<1042x128xf32, #tpu.memory_space<vmem_shared>> -> memref<1x128xf32, #tpu.memory_space<vmem_shared>>
    tpu.enqueue_dma source(%dma_start3A_52 : memref<1x128xf32, #tpu.memory_space<vmem_shared>>) target(%dma_start3A_49 : memref<1x128xf32, #tpu.memory_space<vmem_shared>>) target_semaphore(%arg5 : memref<!tpu.dma_semaphore, #tpu.memory_space<semaphore_mem>>)
    %dma_start3A_53 = arith.constant 4 : i32
    %dma_start3A_54 = arith.constant 0 : i32
    %dma_start3A_55 = tpu.memref_slice %arg3[%dma_start3A_53, %dma_start3A_54] : memref<1042x128xf32, #tpu.memory_space<vmem_shared>> -> memref<1x128xf32, #tpu.memory_space<vmem_shared>>
    %dma_start3A_56 = arith.constant 501 : i32
    %dma_start3A_57 = arith.constant 0 : i32
    %dma_start3A_58 = tpu.memref_slice %arg3[%dma_start3A_56, %dma_start3A_57] : memref<1042x128xf32, #tpu.memory_space<vmem_shared>> -> memref<1x128xf32, #tpu.memory_space<vmem_shared>>
    tpu.enqueue_dma source(%dma_start3A_58 : memref<1x128xf32, #tpu.memory_space<vmem_shared>>) target(%dma_start3A_55 : memref<1x128xf32, #tpu.memory_space<vmem_shared>>) target_semaphore(%arg5 : memref<!tpu.dma_semaphore, #tpu.memory_space<semaphore_mem>>)
    %dma_start3A_59 = arith.constant 526 : i32
    %dma_start3A_60 = arith.constant 0 : i32
    %dma_start3A_61 = tpu.memref_slice %arg3[%dma_start3A_59, %dma_start3A_60] : memref<1042x128xf32, #tpu.memory_space<vmem_shared>> -> memref<1x128xf32, #tpu.memory_space<vmem_shared>>
    %dma_start3A_62 = arith.constant 521 : i32
    %dma_start3A_63 = arith.constant 0 : i32
    %dma_start3A_64 = tpu.memref_slice %arg3[%dma_start3A_62, %dma_start3A_63] : memref<1042x128xf32, #tpu.memory_space<vmem_shared>> -> memref<1x128xf32, #tpu.memory_space<vmem_shared>>
    tpu.enqueue_dma source(%dma_start3A_64 : memref<1x128xf32, #tpu.memory_space<vmem_shared>>) target(%dma_start3A_61 : memref<1x128xf32, #tpu.memory_space<vmem_shared>>) target_semaphore(%arg5 : memref<!tpu.dma_semaphore, #tpu.memory_space<semaphore_mem>>)
    %dma_start3A_65 = arith.constant 5 : i32
    %dma_start3A_66 = arith.constant 0 : i32
    %dma_start3A_67 = tpu.memref_slice %arg3[%dma_start3A_65, %dma_start3A_66] : memref<1042x128xf32, #tpu.memory_space<vmem_shared>> -> memref<1x128xf32, #tpu.memory_space<vmem_shared>>
    %dma_start3A_68 = arith.constant 501 : i32
    %dma_start3A_69 = arith.constant 0 : i32
    %dma_start3A_70 = tpu.memref_slice %arg3[%dma_start3A_68, %dma_start3A_69] : memref<1042x128xf32, #tpu.memory_space<vmem_shared>> -> memref<1x128xf32, #tpu.memory_space<vmem_shared>>
    tpu.enqueue_dma source(%dma_start3A_70 : memref<1x128xf32, #tpu.memory_space<vmem_shared>>) target(%dma_start3A_67 : memref<1x128xf32, #tpu.memory_space<vmem_shared>>) target_semaphore(%arg5 : memref<!tpu.dma_semaphore, #tpu.memory_space<semaphore_mem>>)
    %dma_start3A_71 = arith.constant 527 : i32
    %dma_start3A_72 = arith.constant 0 : i32
    %dma_start3A_73 = tpu.memref_slice %arg3[%dma_start3A_71, %dma_start3A_72] : memref<1042x128xf32, #tpu.memory_space<vmem_shared>> -> memref<1x128xf32, #tpu.memory_space<vmem_shared>>
    %dma_start3A_74 = arith.constant 521 : i32
    %dma_start3A_75 = arith.constant 0 : i32
    %dma_start3A_76 = tpu.memref_slice %arg3[%dma_start3A_74, %dma_start3A_75] : memref<1042x128xf32, #tpu.memory_space<vmem_shared>> -> memref<1x128xf32, #tpu.memory_space<vmem_shared>>
    tpu.enqueue_dma source(%dma_start3A_76 : memref<1x128xf32, #tpu.memory_space<vmem_shared>>) target(%dma_start3A_73 : memref<1x128xf32, #tpu.memory_space<vmem_shared>>) target_semaphore(%arg5 : memref<!tpu.dma_semaphore, #tpu.memory_space<semaphore_mem>>)
    %dma_start3A_77 = arith.constant 6 : i32
    %dma_start3A_78 = arith.constant 0 : i32
    %dma_start3A_79 = tpu.memref_slice %arg3[%dma_start3A_77, %dma_start3A_78] : memref<1042x128xf32, #tpu.memory_space<vmem_shared>> -> memref<1x128xf32, #tpu.memory_space<vmem_shared>>
    %dma_start3A_80 = arith.constant 501 : i32
    %dma_start3A_81 = arith.constant 0 : i32
    %dma_start3A_82 = tpu.memref_slice %arg3[%dma_start3A_80, %dma_start3A_81] : memref<1042x128xf32, #tpu.memory_space<vmem_shared>> -> memref<1x128xf32, #tpu.memory_space<vmem_shared>>
    tpu.enqueue_dma source(%dma_start3A_82 : memref<1x128xf32, #tpu.memory_space<vmem_shared>>) target(%dma_start3A_79 : memref<1x128xf32, #tpu.memory_space<vmem_shared>>) target_semaphore(%arg5 : memref<!tpu.dma_semaphore, #tpu.memory_space<semaphore_mem>>)
    %dma_start3A_83 = arith.constant 528 : i32
    %dma_start3A_84 = arith.constant 0 : i32
    %dma_start3A_85 = tpu.memref_slice %arg3[%dma_start3A_83, %dma_start3A_84] : memref<1042x128xf32, #tpu.memory_space<vmem_shared>> -> memref<1x128xf32, #tpu.memory_space<vmem_shared>>
    %dma_start3A_86 = arith.constant 521 : i32
    %dma_start3A_87 = arith.constant 0 : i32
    %dma_start3A_88 = tpu.memref_slice %arg3[%dma_start3A_86, %dma_start3A_87] : memref<1042x128xf32, #tpu.memory_space<vmem_shared>> -> memref<1x128xf32, #tpu.memory_space<vmem_shared>>
    tpu.enqueue_dma source(%dma_start3A_88 : memref<1x128xf32, #tpu.memory_space<vmem_shared>>) target(%dma_start3A_85 : memref<1x128xf32, #tpu.memory_space<vmem_shared>>) target_semaphore(%arg5 : memref<!tpu.dma_semaphore, #tpu.memory_space<semaphore_mem>>)
    %dma_start3A_89 = arith.constant 7 : i32
    %dma_start3A_90 = arith.constant 0 : i32
    %dma_start3A_91 = tpu.memref_slice %arg3[%dma_start3A_89, %dma_start3A_90] : memref<1042x128xf32, #tpu.memory_space<vmem_shared>> -> memref<1x128xf32, #tpu.memory_space<vmem_shared>>
    %dma_start3A_92 = arith.constant 501 : i32
    %dma_start3A_93 = arith.constant 0 : i32
    %dma_start3A_94 = tpu.memref_slice %arg3[%dma_start3A_92, %dma_start3A_93] : memref<1042x128xf32, #tpu.memory_space<vmem_shared>> -> memref<1x128xf32, #tpu.memory_space<vmem_shared>>
    tpu.enqueue_dma source(%dma_start3A_94 : memref<1x128xf32, #tpu.memory_space<vmem_shared>>) target(%dma_start3A_91 : memref<1x128xf32, #tpu.memory_space<vmem_shared>>) target_semaphore(%arg5 : memref<!tpu.dma_semaphore, #tpu.memory_space<semaphore_mem>>)
    %dma_start3A_95 = arith.constant 529 : i32
    %dma_start3A_96 = arith.constant 0 : i32
    %dma_start3A_97 = tpu.memref_slice %arg3[%dma_start3A_95, %dma_start3A_96] : memref<1042x128xf32, #tpu.memory_space<vmem_shared>> -> memref<1x128xf32, #tpu.memory_space<vmem_shared>>
    %dma_start3A_98 = arith.constant 521 : i32
    %dma_start3A_99 = arith.constant 0 : i32
    %dma_start3A_100 = tpu.memref_slice %arg3[%dma_start3A_98, %dma_start3A_99] : memref<1042x128xf32, #tpu.memory_space<vmem_shared>> -> memref<1x128xf32, #tpu.memory_space<vmem_shared>>
    tpu.enqueue_dma source(%dma_start3A_100 : memref<1x128xf32, #tpu.memory_space<vmem_shared>>) target(%dma_start3A_97 : memref<1x128xf32, #tpu.memory_space<vmem_shared>>) target_semaphore(%arg5 : memref<!tpu.dma_semaphore, #tpu.memory_space<semaphore_mem>>)
    %dma_wait3A = arith.constant 0 : i32
    %dma_wait3A_101 = arith.constant 0 : i32
    %dma_wait3A_102 = tpu.memref_slice %arg3[%dma_wait3A, %dma_wait3A_101] : memref<1042x128xf32, #tpu.memory_space<vmem_shared>> -> memref<1x128xf32, #tpu.memory_space<vmem_shared>>
    %dma_wait3A_103 = arith.constant 501 : i32
    %dma_wait3A_104 = arith.constant 0 : i32
    %dma_wait3A_105 = tpu.memref_slice %arg3[%dma_wait3A_103, %dma_wait3A_104] : memref<1042x128xf32, #tpu.memory_space<vmem_shared>> -> memref<1x128xf32, #tpu.memory_space<vmem_shared>>
    tpu.wait_dma2 semaphore(%arg5 : memref<!tpu.dma_semaphore, #tpu.memory_space<semaphore_mem>>) src(%dma_wait3A_105 : memref<1x128xf32, #tpu.memory_space<vmem_shared>>) dst(%dma_wait3A_102 : memref<1x128xf32, #tpu.memory_space<vmem_shared>>)
    %dma_wait3A_106 = arith.constant 522 : i32
    %dma_wait3A_107 = arith.constant 0 : i32
    %dma_wait3A_108 = tpu.memref_slice %arg3[%dma_wait3A_106, %dma_wait3A_107] : memref<1042x128xf32, #tpu.memory_space<vmem_shared>> -> memref<1x128xf32, #tpu.memory_space<vmem_shared>>
    %dma_wait3A_109 = arith.constant 521 : i32
    %dma_wait3A_110 = arith.constant 0 : i32
    %dma_wait3A_111 = tpu.memref_slice %arg3[%dma_wait3A_109, %dma_wait3A_110] : memref<1042x128xf32, #tpu.memory_space<vmem_shared>> -> memref<1x128xf32, #tpu.memory_space<vmem_shared>>
    tpu.wait_dma2 semaphore(%arg5 : memref<!tpu.dma_semaphore, #tpu.memory_space<semaphore_mem>>) src(%dma_wait3A_111 : memref<1x128xf32, #tpu.memory_space<vmem_shared>>) dst(%dma_wait3A_108 : memref<1x128xf32, #tpu.memory_space<vmem_shared>>)
    %dma_wait3A_112 = arith.constant 1 : i32
    %dma_wait3A_113 = arith.constant 0 : i32
    %dma_wait3A_114 = tpu.memref_slice %arg3[%dma_wait3A_112, %dma_wait3A_113] : memref<1042x128xf32, #tpu.memory_space<vmem_shared>> -> memref<1x128xf32, #tpu.memory_space<vmem_shared>>
    %dma_wait3A_115 = arith.constant 501 : i32
    %dma_wait3A_116 = arith.constant 0 : i32
    %dma_wait3A_117 = tpu.memref_slice %arg3[%dma_wait3A_115, %dma_wait3A_116] : memref<1042x128xf32, #tpu.memory_space<vmem_shared>> -> memref<1x128xf32, #tpu.memory_space<vmem_shared>>
    tpu.wait_dma2 semaphore(%arg5 : memref<!tpu.dma_semaphore, #tpu.memory_space<semaphore_mem>>) src(%dma_wait3A_117 : memref<1x128xf32, #tpu.memory_space<vmem_shared>>) dst(%dma_wait3A_114 : memref<1x128xf32, #tpu.memory_space<vmem_shared>>)
    %dma_wait3A_118 = arith.constant 523 : i32
    %dma_wait3A_119 = arith.constant 0 : i32
    %dma_wait3A_120 = tpu.memref_slice %arg3[%dma_wait3A_118, %dma_wait3A_119] : memref<1042x128xf32, #tpu.memory_space<vmem_shared>> -> memref<1x128xf32, #tpu.memory_space<vmem_shared>>
    %dma_wait3A_121 = arith.constant 521 : i32
    %dma_wait3A_122 = arith.constant 0 : i32
    %dma_wait3A_123 = tpu.memref_slice %arg3[%dma_wait3A_121, %dma_wait3A_122] : memref<1042x128xf32, #tpu.memory_space<vmem_shared>> -> memref<1x128xf32, #tpu.memory_space<vmem_shared>>
    tpu.wait_dma2 semaphore(%arg5 : memref<!tpu.dma_semaphore, #tpu.memory_space<semaphore_mem>>) src(%dma_wait3A_123 : memref<1x128xf32, #tpu.memory_space<vmem_shared>>) dst(%dma_wait3A_120 : memref<1x128xf32, #tpu.memory_space<vmem_shared>>)
    %dma_wait3A_124 = arith.constant 2 : i32
    %dma_wait3A_125 = arith.constant 0 : i32
    %dma_wait3A_126 = tpu.memref_slice %arg3[%dma_wait3A_124, %dma_wait3A_125] : memref<1042x128xf32, #tpu.memory_space<vmem_shared>> -> memref<1x128xf32, #tpu.memory_space<vmem_shared>>
    %dma_wait3A_127 = arith.constant 501 : i32
    %dma_wait3A_128 = arith.constant 0 : i32
    %dma_wait3A_129 = tpu.memref_slice %arg3[%dma_wait3A_127, %dma_wait3A_128] : memref<1042x128xf32, #tpu.memory_space<vmem_shared>> -> memref<1x128xf32, #tpu.memory_space<vmem_shared>>
    tpu.wait_dma2 semaphore(%arg5 : memref<!tpu.dma_semaphore, #tpu.memory_space<semaphore_mem>>) src(%dma_wait3A_129 : memref<1x128xf32, #tpu.memory_space<vmem_shared>>) dst(%dma_wait3A_126 : memref<1x128xf32, #tpu.memory_space<vmem_shared>>)
    %dma_wait3A_130 = arith.constant 524 : i32
    %dma_wait3A_131 = arith.constant 0 : i32
    %dma_wait3A_132 = tpu.memref_slice %arg3[%dma_wait3A_130, %dma_wait3A_131] : memref<1042x128xf32, #tpu.memory_space<vmem_shared>> -> memref<1x128xf32, #tpu.memory_space<vmem_shared>>
    %dma_wait3A_133 = arith.constant 521 : i32
    %dma_wait3A_134 = arith.constant 0 : i32
    %dma_wait3A_135 = tpu.memref_slice %arg3[%dma_wait3A_133, %dma_wait3A_134] : memref<1042x128xf32, #tpu.memory_space<vmem_shared>> -> memref<1x128xf32, #tpu.memory_space<vmem_shared>>
    tpu.wait_dma2 semaphore(%arg5 : memref<!tpu.dma_semaphore, #tpu.memory_space<semaphore_mem>>) src(%dma_wait3A_135 : memref<1x128xf32, #tpu.memory_space<vmem_shared>>) dst(%dma_wait3A_132 : memref<1x128xf32, #tpu.memory_space<vmem_shared>>)
    %dma_wait3A_136 = arith.constant 3 : i32
    %dma_wait3A_137 = arith.constant 0 : i32
    %dma_wait3A_138 = tpu.memref_slice %arg3[%dma_wait3A_136, %dma_wait3A_137] : memref<1042x128xf32, #tpu.memory_space<vmem_shared>> -> memref<1x128xf32, #tpu.memory_space<vmem_shared>>
    %dma_wait3A_139 = arith.constant 501 : i32
    %dma_wait3A_140 = arith.constant 0 : i32
    %dma_wait3A_141 = tpu.memref_slice %arg3[%dma_wait3A_139, %dma_wait3A_140] : memref<1042x128xf32, #tpu.memory_space<vmem_shared>> -> memref<1x128xf32, #tpu.memory_space<vmem_shared>>
    tpu.wait_dma2 semaphore(%arg5 : memref<!tpu.dma_semaphore, #tpu.memory_space<semaphore_mem>>) src(%dma_wait3A_141 : memref<1x128xf32, #tpu.memory_space<vmem_shared>>) dst(%dma_wait3A_138 : memref<1x128xf32, #tpu.memory_space<vmem_shared>>)
    %dma_wait3A_142 = arith.constant 525 : i32
    %dma_wait3A_143 = arith.constant 0 : i32
    %dma_wait3A_144 = tpu.memref_slice %arg3[%dma_wait3A_142, %dma_wait3A_143] : memref<1042x128xf32, #tpu.memory_space<vmem_shared>> -> memref<1x128xf32, #tpu.memory_space<vmem_shared>>
    %dma_wait3A_145 = arith.constant 521 : i32
    %dma_wait3A_146 = arith.constant 0 : i32
    %dma_wait3A_147 = tpu.memref_slice %arg3[%dma_wait3A_145, %dma_wait3A_146] : memref<1042x128xf32, #tpu.memory_space<vmem_shared>> -> memref<1x128xf32, #tpu.memory_space<vmem_shared>>
    tpu.wait_dma2 semaphore(%arg5 : memref<!tpu.dma_semaphore, #tpu.memory_space<semaphore_mem>>) src(%dma_wait3A_147 : memref<1x128xf32, #tpu.memory_space<vmem_shared>>) dst(%dma_wait3A_144 : memref<1x128xf32, #tpu.memory_space<vmem_shared>>)
    %dma_wait3A_148 = arith.constant 4 : i32
    %dma_wait3A_149 = arith.constant 0 : i32
    %dma_wait3A_150 = tpu.memref_slice %arg3[%dma_wait3A_148, %dma_wait3A_149] : memref<1042x128xf32, #tpu.memory_space<vmem_shared>> -> memref<1x128xf32, #tpu.memory_space<vmem_shared>>
    %dma_wait3A_151 = arith.constant 501 : i32
    %dma_wait3A_152 = arith.constant 0 : i32
    %dma_wait3A_153 = tpu.memref_slice %arg3[%dma_wait3A_151, %dma_wait3A_152] : memref<1042x128xf32, #tpu.memory_space<vmem_shared>> -> memref<1x128xf32, #tpu.memory_space<vmem_shared>>
    tpu.wait_dma2 semaphore(%arg5 : memref<!tpu.dma_semaphore, #tpu.memory_space<semaphore_mem>>) src(%dma_wait3A_153 : memref<1x128xf32, #tpu.memory_space<vmem_shared>>) dst(%dma_wait3A_150 : memref<1x128xf32, #tpu.memory_space<vmem_shared>>)
    %dma_wait3A_154 = arith.constant 526 : i32
    %dma_wait3A_155 = arith.constant 0 : i32
    %dma_wait3A_156 = tpu.memref_slice %arg3[%dma_wait3A_154, %dma_wait3A_155] : memref<1042x128xf32, #tpu.memory_space<vmem_shared>> -> memref<1x128xf32, #tpu.memory_space<vmem_shared>>
    %dma_wait3A_157 = arith.constant 521 : i32
    %dma_wait3A_158 = arith.constant 0 : i32
    %dma_wait3A_159 = tpu.memref_slice %arg3[%dma_wait3A_157, %dma_wait3A_158] : memref<1042x128xf32, #tpu.memory_space<vmem_shared>> -> memref<1x128xf32, #tpu.memory_space<vmem_shared>>
    tpu.wait_dma2 semaphore(%arg5 : memref<!tpu.dma_semaphore, #tpu.memory_space<semaphore_mem>>) src(%dma_wait3A_159 : memref<1x128xf32, #tpu.memory_space<vmem_shared>>) dst(%dma_wait3A_156 : memref<1x128xf32, #tpu.memory_space<vmem_shared>>)
    %dma_wait3A_160 = arith.constant 5 : i32
    %dma_wait3A_161 = arith.constant 0 : i32
    %dma_wait3A_162 = tpu.memref_slice %arg3[%dma_wait3A_160, %dma_wait3A_161] : memref<1042x128xf32, #tpu.memory_space<vmem_shared>> -> memref<1x128xf32, #tpu.memory_space<vmem_shared>>
    %dma_wait3A_163 = arith.constant 501 : i32
    %dma_wait3A_164 = arith.constant 0 : i32
    %dma_wait3A_165 = tpu.memref_slice %arg3[%dma_wait3A_163, %dma_wait3A_164] : memref<1042x128xf32, #tpu.memory_space<vmem_shared>> -> memref<1x128xf32, #tpu.memory_space<vmem_shared>>
    tpu.wait_dma2 semaphore(%arg5 : memref<!tpu.dma_semaphore, #tpu.memory_space<semaphore_mem>>) src(%dma_wait3A_165 : memref<1x128xf32, #tpu.memory_space<vmem_shared>>) dst(%dma_wait3A_162 : memref<1x128xf32, #tpu.memory_space<vmem_shared>>)
    %dma_wait3A_166 = arith.constant 527 : i32
    %dma_wait3A_167 = arith.constant 0 : i32
    %dma_wait3A_168 = tpu.memref_slice %arg3[%dma_wait3A_166, %dma_wait3A_167] : memref<1042x128xf32, #tpu.memory_space<vmem_shared>> -> memref<1x128xf32, #tpu.memory_space<vmem_shared>>
    %dma_wait3A_169 = arith.constant 521 : i32
    %dma_wait3A_170 = arith.constant 0 : i32
    %dma_wait3A_171 = tpu.memref_slice %arg3[%dma_wait3A_169, %dma_wait3A_170] : memref<1042x128xf32, #tpu.memory_space<vmem_shared>> -> memref<1x128xf32, #tpu.memory_space<vmem_shared>>
    tpu.wait_dma2 semaphore(%arg5 : memref<!tpu.dma_semaphore, #tpu.memory_space<semaphore_mem>>) src(%dma_wait3A_171 : memref<1x128xf32, #tpu.memory_space<vmem_shared>>) dst(%dma_wait3A_168 : memref<1x128xf32, #tpu.memory_space<vmem_shared>>)
    %dma_wait3A_172 = arith.constant 6 : i32
    %dma_wait3A_173 = arith.constant 0 : i32
    %dma_wait3A_174 = tpu.memref_slice %arg3[%dma_wait3A_172, %dma_wait3A_173] : memref<1042x128xf32, #tpu.memory_space<vmem_shared>> -> memref<1x128xf32, #tpu.memory_space<vmem_shared>>
    %dma_wait3A_175 = arith.constant 501 : i32
    %dma_wait3A_176 = arith.constant 0 : i32
    %dma_wait3A_177 = tpu.memref_slice %arg3[%dma_wait3A_175, %dma_wait3A_176] : memref<1042x128xf32, #tpu.memory_space<vmem_shared>> -> memref<1x128xf32, #tpu.memory_space<vmem_shared>>
    tpu.wait_dma2 semaphore(%arg5 : memref<!tpu.dma_semaphore, #tpu.memory_space<semaphore_mem>>) src(%dma_wait3A_177 : memref<1x128xf32, #tpu.memory_space<vmem_shared>>) dst(%dma_wait3A_174 : memref<1x128xf32, #tpu.memory_space<vmem_shared>>)
    %dma_wait3A_178 = arith.constant 528 : i32
    %dma_wait3A_179 = arith.constant 0 : i32
    %dma_wait3A_180 = tpu.memref_slice %arg3[%dma_wait3A_178, %dma_wait3A_179] : memref<1042x128xf32, #tpu.memory_space<vmem_shared>> -> memref<1x128xf32, #tpu.memory_space<vmem_shared>>
    %dma_wait3A_181 = arith.constant 521 : i32
    %dma_wait3A_182 = arith.constant 0 : i32
    %dma_wait3A_183 = tpu.memref_slice %arg3[%dma_wait3A_181, %dma_wait3A_182] : memref<1042x128xf32, #tpu.memory_space<vmem_shared>> -> memref<1x128xf32, #tpu.memory_space<vmem_shared>>
    tpu.wait_dma2 semaphore(%arg5 : memref<!tpu.dma_semaphore, #tpu.memory_space<semaphore_mem>>) src(%dma_wait3A_183 : memref<1x128xf32, #tpu.memory_space<vmem_shared>>) dst(%dma_wait3A_180 : memref<1x128xf32, #tpu.memory_space<vmem_shared>>)
    %dma_wait3A_184 = arith.constant 7 : i32
    %dma_wait3A_185 = arith.constant 0 : i32
    %dma_wait3A_186 = tpu.memref_slice %arg3[%dma_wait3A_184, %dma_wait3A_185] : memref<1042x128xf32, #tpu.memory_space<vmem_shared>> -> memref<1x128xf32, #tpu.memory_space<vmem_shared>>
    %dma_wait3A_187 = arith.constant 501 : i32
    %dma_wait3A_188 = arith.constant 0 : i32
    %dma_wait3A_189 = tpu.memref_slice %arg3[%dma_wait3A_187, %dma_wait3A_188] : memref<1042x128xf32, #tpu.memory_space<vmem_shared>> -> memref<1x128xf32, #tpu.memory_space<vmem_shared>>
    tpu.wait_dma2 semaphore(%arg5 : memref<!tpu.dma_semaphore, #tpu.memory_space<semaphore_mem>>) src(%dma_wait3A_189 : memref<1x128xf32, #tpu.memory_space<vmem_shared>>) dst(%dma_wait3A_186 : memref<1x128xf32, #tpu.memory_space<vmem_shared>>)
    %dma_wait3A_190 = arith.constant 529 : i32
    %dma_wait3A_191 = arith.constant 0 : i32
    %dma_wait3A_192 = tpu.memref_slice %arg3[%dma_wait3A_190, %dma_wait3A_191] : memref<1042x128xf32, #tpu.memory_space<vmem_shared>> -> memref<1x128xf32, #tpu.memory_space<vmem_shared>>
    %dma_wait3A_193 = arith.constant 521 : i32
    %dma_wait3A_194 = arith.constant 0 : i32
    %dma_wait3A_195 = tpu.memref_slice %arg3[%dma_wait3A_193, %dma_wait3A_194] : memref<1042x128xf32, #tpu.memory_space<vmem_shared>> -> memref<1x128xf32, #tpu.memory_space<vmem_shared>>
    tpu.wait_dma2 semaphore(%arg5 : memref<!tpu.dma_semaphore, #tpu.memory_space<semaphore_mem>>) src(%dma_wait3A_195 : memref<1x128xf32, #tpu.memory_space<vmem_shared>>) dst(%dma_wait3A_192 : memref<1x128xf32, #tpu.memory_space<vmem_shared>>)
    %dma_start3A_196 = arith.constant 0 : i32
    %dma_start3A_197 = arith.constant 0 : i32
    %dma_start3A_198 = tpu.memref_slice %arg2[%add3A_1, %dma_start3A_196, %dma_start3A_197] : memref<512x512x128xf32, #tpu.memory_space<hbm>> -> memref<1x512x128xf32, #tpu.memory_space<hbm>>
    %dma_start3A_199 = tpu.memref_squeeze %dma_start3A_198 : memref<1x512x128xf32, #tpu.memory_space<hbm>> -> memref<512x128xf32, #tpu.memory_space<hbm>>
    %dma_start3A_200 = arith.constant 0 : i32
    %dma_start3A_201 = arith.constant 0 : i32
    %dma_start3A_202 = tpu.memref_slice %dma_start3A_199[%dma_start3A_200, %dma_start3A_201] : memref<512x128xf32, #tpu.memory_space<hbm>> -> memref<8x128xf32, #tpu.memory_space<hbm>>
    %dma_start3A_203 = arith.constant 0 : i32
    %dma_start3A_204 = arith.constant 0 : i32
    %dma_start3A_205 = tpu.memref_slice %arg3[%dma_start3A_203, %dma_start3A_204] : memref<1042x128xf32, #tpu.memory_space<vmem_shared>> -> memref<8x128xf32, #tpu.memory_space<vmem_shared>>
    tpu.enqueue_dma source(%dma_start3A_205 : memref<8x128xf32, #tpu.memory_space<vmem_shared>>) target(%dma_start3A_202 : memref<8x128xf32, #tpu.memory_space<hbm>>) target_semaphore(%arg5 : memref<!tpu.dma_semaphore, #tpu.memory_space<semaphore_mem>>)
    %dma_start3A_206 = arith.constant 0 : i32
    %dma_start3A_207 = arith.constant 0 : i32
    %dma_start3A_208 = tpu.memref_slice %arg2[%add3A_5, %dma_start3A_206, %dma_start3A_207] : memref<512x512x128xf32, #tpu.memory_space<hbm>> -> memref<1x512x128xf32, #tpu.memory_space<hbm>>
    %dma_start3A_209 = tpu.memref_squeeze %dma_start3A_208 : memref<1x512x128xf32, #tpu.memory_space<hbm>> -> memref<512x128xf32, #tpu.memory_space<hbm>>
    %dma_start3A_210 = arith.constant 0 : i32
    %dma_start3A_211 = arith.constant 0 : i32
    %dma_start3A_212 = tpu.memref_slice %dma_start3A_209[%dma_start3A_210, %dma_start3A_211] : memref<512x128xf32, #tpu.memory_space<hbm>> -> memref<8x128xf32, #tpu.memory_space<hbm>>
    %dma_start3A_213 = arith.constant 522 : i32
    %dma_start3A_214 = arith.constant 0 : i32
    %dma_start3A_215 = tpu.memref_slice %arg3[%dma_start3A_213, %dma_start3A_214] : memref<1042x128xf32, #tpu.memory_space<vmem_shared>> -> memref<8x128xf32, #tpu.memory_space<vmem_shared>>
    tpu.enqueue_dma source(%dma_start3A_215 : memref<8x128xf32, #tpu.memory_space<vmem_shared>>) target(%dma_start3A_212 : memref<8x128xf32, #tpu.memory_space<hbm>>) target_semaphore(%arg5 : memref<!tpu.dma_semaphore, #tpu.memory_space<semaphore_mem>>)
    %dma_start3A_216 = arith.constant 0 : i32
    %dma_start3A_217 = arith.constant 0 : i32
    %dma_start3A_218 = tpu.memref_slice %arg2[%add3A_1, %dma_start3A_216, %dma_start3A_217] : memref<512x512x128xf32, #tpu.memory_space<hbm>> -> memref<1x512x128xf32, #tpu.memory_space<hbm>>
    %dma_start3A_219 = tpu.memref_squeeze %dma_start3A_218 : memref<1x512x128xf32, #tpu.memory_space<hbm>> -> memref<512x128xf32, #tpu.memory_space<hbm>>
    %dma_start3A_220 = arith.constant 8 : i32
    %dma_start3A_221 = arith.constant 0 : i32
    %dma_start3A_222 = tpu.memref_slice %dma_start3A_219[%dma_start3A_220, %dma_start3A_221] : memref<512x128xf32, #tpu.memory_space<hbm>> -> memref<8x128xf32, #tpu.memory_space<hbm>>
    %dma_start3A_223 = arith.constant 0 : i32
    %dma_start3A_224 = arith.constant 0 : i32
    %dma_start3A_225 = tpu.memref_slice %arg3[%dma_start3A_223, %dma_start3A_224] : memref<1042x128xf32, #tpu.memory_space<vmem_shared>> -> memref<8x128xf32, #tpu.memory_space<vmem_shared>>
    tpu.enqueue_dma source(%dma_start3A_225 : memref<8x128xf32, #tpu.memory_space<vmem_shared>>) target(%dma_start3A_222 : memref<8x128xf32, #tpu.memory_space<hbm>>) target_semaphore(%arg5 : memref<!tpu.dma_semaphore, #tpu.memory_space<semaphore_mem>>)
    %dma_start3A_226 = arith.constant 0 : i32
    %dma_start3A_227 = arith.constant 0 : i32
    %dma_start3A_228 = tpu.memref_slice %arg2[%add3A_5, %dma_start3A_226, %dma_start3A_227] : memref<512x512x128xf32, #tpu.memory_space<hbm>> -> memref<1x512x128xf32, #tpu.memory_space<hbm>>
    %dma_start3A_229 = tpu.memref_squeeze %dma_start3A_228 : memref<1x512x128xf32, #tpu.memory_space<hbm>> -> memref<512x128xf32, #tpu.memory_space<hbm>>
    %dma_start3A_230 = arith.constant 8 : i32
    %dma_start3A_231 = arith.constant 0 : i32
    %dma_start3A_232 = tpu.memref_slice %dma_start3A_229[%dma_start3A_230, %dma_start3A_231] : memref<512x128xf32, #tpu.memory_space<hbm>> -> memref<8x128xf32, #tpu.memory_space<hbm>>
    %dma_start3A_233 = arith.constant 522 : i32
    %dma_start3A_234 = arith.constant 0 : i32
    %dma_start3A_235 = tpu.memref_slice %arg3[%dma_start3A_233, %dma_start3A_234] : memref<1042x128xf32, #tpu.memory_space<vmem_shared>> -> memref<8x128xf32, #tpu.memory_space<vmem_shared>>
    tpu.enqueue_dma source(%dma_start3A_235 : memref<8x128xf32, #tpu.memory_space<vmem_shared>>) target(%dma_start3A_232 : memref<8x128xf32, #tpu.memory_space<hbm>>) target_semaphore(%arg5 : memref<!tpu.dma_semaphore, #tpu.memory_space<semaphore_mem>>)
    %dma_start3A_236 = arith.constant 0 : i32
    %dma_start3A_237 = arith.constant 0 : i32
    %dma_start3A_238 = tpu.memref_slice %arg2[%add3A_1, %dma_start3A_236, %dma_start3A_237] : memref<512x512x128xf32, #tpu.memory_space<hbm>> -> memref<1x512x128xf32, #tpu.memory_space<hbm>>
    %dma_start3A_239 = tpu.memref_squeeze %dma_start3A_238 : memref<1x512x128xf32, #tpu.memory_space<hbm>> -> memref<512x128xf32, #tpu.memory_space<hbm>>
    %dma_start3A_240 = arith.constant 16 : i32
    %dma_start3A_241 = arith.constant 0 : i32
    %dma_start3A_242 = tpu.memref_slice %dma_start3A_239[%dma_start3A_240, %dma_start3A_241] : memref<512x128xf32, #tpu.memory_space<hbm>> -> memref<8x128xf32, #tpu.memory_space<hbm>>
    %dma_start3A_243 = arith.constant 0 : i32
    %dma_start3A_244 = arith.constant 0 : i32
    %dma_start3A_245 = tpu.memref_slice %arg3[%dma_start3A_243, %dma_start3A_244] : memref<1042x128xf32, #tpu.memory_space<vmem_shared>> -> memref<8x128xf32, #tpu.memory_space<vmem_shared>>
    tpu.enqueue_dma source(%dma_start3A_245 : memref<8x128xf32, #tpu.memory_space<vmem_shared>>) target(%dma_start3A_242 : memref<8x128xf32, #tpu.memory_space<hbm>>) target_semaphore(%arg5 : memref<!tpu.dma_semaphore, #tpu.memory_space<semaphore_mem>>)
    %dma_start3A_246 = arith.constant 0 : i32
    %dma_start3A_247 = arith.constant 0 : i32
    %dma_start3A_248 = tpu.memref_slice %arg2[%add3A_5, %dma_start3A_246, %dma_start3A_247] : memref<512x512x128xf32, #tpu.memory_space<hbm>> -> memref<1x512x128xf32, #tpu.memory_space<hbm>>
    %dma_start3A_249 = tpu.memref_squeeze %dma_start3A_248 : memref<1x512x128xf32, #tpu.memory_space<hbm>> -> memref<512x128xf32, #tpu.memory_space<hbm>>
    %dma_start3A_250 = arith.constant 16 : i32
    %dma_start3A_251 = arith.constant 0 : i32
    %dma_start3A_252 = tpu.memref_slice %dma_start3A_249[%dma_start3A_250, %dma_start3A_251] : memref<512x128xf32, #tpu.memory_space<hbm>> -> memref<8x128xf32, #tpu.memory_space<hbm>>
    %dma_start3A_253 = arith.constant 522 : i32
    %dma_start3A_254 = arith.constant 0 : i32
    %dma_start3A_255 = tpu.memref_slice %arg3[%dma_start3A_253, %dma_start3A_254] : memref<1042x128xf32, #tpu.memory_space<vmem_shared>> -> memref<8x128xf32, #tpu.memory_space<vmem_shared>>
    tpu.enqueue_dma source(%dma_start3A_255 : memref<8x128xf32, #tpu.memory_space<vmem_shared>>) target(%dma_start3A_252 : memref<8x128xf32, #tpu.memory_space<hbm>>) target_semaphore(%arg5 : memref<!tpu.dma_semaphore, #tpu.memory_space<semaphore_mem>>)
    %dma_start3A_256 = arith.constant 0 : i32
    %dma_start3A_257 = arith.constant 0 : i32
    %dma_start3A_258 = tpu.memref_slice %arg2[%add3A_1, %dma_start3A_256, %dma_start3A_257] : memref<512x512x128xf32, #tpu.memory_space<hbm>> -> memref<1x512x128xf32, #tpu.memory_space<hbm>>
    %dma_start3A_259 = tpu.memref_squeeze %dma_start3A_258 : memref<1x512x128xf32, #tpu.memory_space<hbm>> -> memref<512x128xf32, #tpu.memory_space<hbm>>
    %dma_start3A_260 = arith.constant 24 : i32
    %dma_start3A_261 = arith.constant 0 : i32
    %dma_start3A_262 = tpu.memref_slice %dma_start3A_259[%dma_start3A_260, %dma_start3A_261] : memref<512x128xf32, #tpu.memory_space<hbm>> -> memref<8x128xf32, #tpu.memory_space<hbm>>
    %dma_start3A_263 = arith.constant 0 : i32
    %dma_start3A_264 = arith.constant 0 : i32
    %dma_start3A_265 = tpu.memref_slice %arg3[%dma_start3A_263, %dma_start3A_264] : memref<1042x128xf32, #tpu.memory_space<vmem_shared>> -> memref<8x128xf32, #tpu.memory_space<vmem_shared>>
    tpu.enqueue_dma source(%dma_start3A_265 : memref<8x128xf32, #tpu.memory_space<vmem_shared>>) target(%dma_start3A_262 : memref<8x128xf32, #tpu.memory_space<hbm>>) target_semaphore(%arg5 : memref<!tpu.dma_semaphore, #tpu.memory_space<semaphore_mem>>)
    %dma_start3A_266 = arith.constant 0 : i32
    %dma_start3A_267 = arith.constant 0 : i32
    %dma_start3A_268 = tpu.memref_slice %arg2[%add3A_5, %dma_start3A_266, %dma_start3A_267] : memref<512x512x128xf32, #tpu.memory_space<hbm>> -> memref<1x512x128xf32, #tpu.memory_space<hbm>>
    %dma_start3A_269 = tpu.memref_squeeze %dma_start3A_268 : memref<1x512x128xf32, #tpu.memory_space<hbm>> -> memref<512x128xf32, #tpu.memory_space<hbm>>
    %dma_start3A_270 = arith.constant 24 : i32
    %dma_start3A_271 = arith.constant 0 : i32
    %dma_start3A_272 = tpu.memref_slice %dma_start3A_269[%dma_start3A_270, %dma_start3A_271] : memref<512x128xf32, #tpu.memory_space<hbm>> -> memref<8x128xf32, #tpu.memory_space<hbm>>
    %dma_start3A_273 = arith.constant 522 : i32
    %dma_start3A_274 = arith.constant 0 : i32
    %dma_start3A_275 = tpu.memref_slice %arg3[%dma_start3A_273, %dma_start3A_274] : memref<1042x128xf32, #tpu.memory_space<vmem_shared>> -> memref<8x128xf32, #tpu.memory_space<vmem_shared>>
    tpu.enqueue_dma source(%dma_start3A_275 : memref<8x128xf32, #tpu.memory_space<vmem_shared>>) target(%dma_start3A_272 : memref<8x128xf32, #tpu.memory_space<hbm>>) target_semaphore(%arg5 : memref<!tpu.dma_semaphore, #tpu.memory_space<semaphore_mem>>)
    %dma_start3A_276 = arith.constant 0 : i32
    %dma_start3A_277 = arith.constant 0 : i32
    %dma_start3A_278 = tpu.memref_slice %arg2[%add3A_1, %dma_start3A_276, %dma_start3A_277] : memref<512x512x128xf32, #tpu.memory_space<hbm>> -> memref<1x512x128xf32, #tpu.memory_space<hbm>>
    %dma_start3A_279 = tpu.memref_squeeze %dma_start3A_278 : memref<1x512x128xf32, #tpu.memory_space<hbm>> -> memref<512x128xf32, #tpu.memory_space<hbm>>
    %dma_start3A_280 = arith.constant 32 : i32
    %dma_start3A_281 = arith.constant 0 : i32
    %dma_start3A_282 = tpu.memref_slice %dma_start3A_279[%dma_start3A_280, %dma_start3A_281] : memref<512x128xf32, #tpu.memory_space<hbm>> -> memref<8x128xf32, #tpu.memory_space<hbm>>
    %dma_start3A_283 = arith.constant 0 : i32
    %dma_start3A_284 = arith.constant 0 : i32
    %dma_start3A_285 = tpu.memref_slice %arg3[%dma_start3A_283, %dma_start3A_284] : memref<1042x128xf32, #tpu.memory_space<vmem_shared>> -> memref<8x128xf32, #tpu.memory_space<vmem_shared>>
    tpu.enqueue_dma source(%dma_start3A_285 : memref<8x128xf32, #tpu.memory_space<vmem_shared>>) target(%dma_start3A_282 : memref<8x128xf32, #tpu.memory_space<hbm>>) target_semaphore(%arg5 : memref<!tpu.dma_semaphore, #tpu.memory_space<semaphore_mem>>)
    %dma_start3A_286 = arith.constant 0 : i32
    %dma_start3A_287 = arith.constant 0 : i32
    %dma_start3A_288 = tpu.memref_slice %arg2[%add3A_5, %dma_start3A_286, %dma_start3A_287] : memref<512x512x128xf32, #tpu.memory_space<hbm>> -> memref<1x512x128xf32, #tpu.memory_space<hbm>>
    %dma_start3A_289 = tpu.memref_squeeze %dma_start3A_288 : memref<1x512x128xf32, #tpu.memory_space<hbm>> -> memref<512x128xf32, #tpu.memory_space<hbm>>
    %dma_start3A_290 = arith.constant 32 : i32
    %dma_start3A_291 = arith.constant 0 : i32
    %dma_start3A_292 = tpu.memref_slice %dma_start3A_289[%dma_start3A_290, %dma_start3A_291] : memref<512x128xf32, #tpu.memory_space<hbm>> -> memref<8x128xf32, #tpu.memory_space<hbm>>
    %dma_start3A_293 = arith.constant 522 : i32
    %dma_start3A_294 = arith.constant 0 : i32
    %dma_start3A_295 = tpu.memref_slice %arg3[%dma_start3A_293, %dma_start3A_294] : memref<1042x128xf32, #tpu.memory_space<vmem_shared>> -> memref<8x128xf32, #tpu.memory_space<vmem_shared>>
    tpu.enqueue_dma source(%dma_start3A_295 : memref<8x128xf32, #tpu.memory_space<vmem_shared>>) target(%dma_start3A_292 : memref<8x128xf32, #tpu.memory_space<hbm>>) target_semaphore(%arg5 : memref<!tpu.dma_semaphore, #tpu.memory_space<semaphore_mem>>)
    %dma_start3A_296 = arith.constant 0 : i32
    %dma_start3A_297 = arith.constant 0 : i32
    %dma_start3A_298 = tpu.memref_slice %arg2[%add3A_1, %dma_start3A_296, %dma_start3A_297] : memref<512x512x128xf32, #tpu.memory_space<hbm>> -> memref<1x512x128xf32, #tpu.memory_space<hbm>>
    %dma_start3A_299 = tpu.memref_squeeze %dma_start3A_298 : memref<1x512x128xf32, #tpu.memory_space<hbm>> -> memref<512x128xf32, #tpu.memory_space<hbm>>
    %dma_start3A_300 = arith.constant 40 : i32
    %dma_start3A_301 = arith.constant 0 : i32
    %dma_start3A_302 = tpu.memref_slice %dma_start3A_299[%dma_start3A_300, %dma_start3A_301] : memref<512x128xf32, #tpu.memory_space<hbm>> -> memref<8x128xf32, #tpu.memory_space<hbm>>
    %dma_start3A_303 = arith.constant 0 : i32
    %dma_start3A_304 = arith.constant 0 : i32
    %dma_start3A_305 = tpu.memref_slice %arg3[%dma_start3A_303, %dma_start3A_304] : memref<1042x128xf32, #tpu.memory_space<vmem_shared>> -> memref<8x128xf32, #tpu.memory_space<vmem_shared>>
    tpu.enqueue_dma source(%dma_start3A_305 : memref<8x128xf32, #tpu.memory_space<vmem_shared>>) target(%dma_start3A_302 : memref<8x128xf32, #tpu.memory_space<hbm>>) target_semaphore(%arg5 : memref<!tpu.dma_semaphore, #tpu.memory_space<semaphore_mem>>)
    %dma_start3A_306 = arith.constant 0 : i32
    %dma_start3A_307 = arith.constant 0 : i32
    %dma_start3A_308 = tpu.memref_slice %arg2[%add3A_5, %dma_start3A_306, %dma_start3A_307] : memref<512x512x128xf32, #tpu.memory_space<hbm>> -> memref<1x512x128xf32, #tpu.memory_space<hbm>>
    %dma_start3A_309 = tpu.memref_squeeze %dma_start3A_308 : memref<1x512x128xf32, #tpu.memory_space<hbm>> -> memref<512x128xf32, #tpu.memory_space<hbm>>
    %dma_start3A_310 = arith.constant 40 : i32
    %dma_start3A_311 = arith.constant 0 : i32
    %dma_start3A_312 = tpu.memref_slice %dma_start3A_309[%dma_start3A_310, %dma_start3A_311] : memref<512x128xf32, #tpu.memory_space<hbm>> -> memref<8x128xf32, #tpu.memory_space<hbm>>
    %dma_start3A_313 = arith.constant 522 : i32
    %dma_start3A_314 = arith.constant 0 : i32
    %dma_start3A_315 = tpu.memref_slice %arg3[%dma_start3A_313, %dma_start3A_314] : memref<1042x128xf32, #tpu.memory_space<vmem_shared>> -> memref<8x128xf32, #tpu.memory_space<vmem_shared>>
    tpu.enqueue_dma source(%dma_start3A_315 : memref<8x128xf32, #tpu.memory_space<vmem_shared>>) target(%dma_start3A_312 : memref<8x128xf32, #tpu.memory_space<hbm>>) target_semaphore(%arg5 : memref<!tpu.dma_semaphore, #tpu.memory_space<semaphore_mem>>)
    %dma_start3A_316 = arith.constant 0 : i32
    %dma_start3A_317 = arith.constant 0 : i32
    %dma_start3A_318 = tpu.memref_slice %arg2[%add3A_1, %dma_start3A_316, %dma_start3A_317] : memref<512x512x128xf32, #tpu.memory_space<hbm>> -> memref<1x512x128xf32, #tpu.memory_space<hbm>>
    %dma_start3A_319 = tpu.memref_squeeze %dma_start3A_318 : memref<1x512x128xf32, #tpu.memory_space<hbm>> -> memref<512x128xf32, #tpu.memory_space<hbm>>
    %dma_start3A_320 = arith.constant 48 : i32
    %dma_start3A_321 = arith.constant 0 : i32
    %dma_start3A_322 = tpu.memref_slice %dma_start3A_319[%dma_start3A_320, %dma_start3A_321] : memref<512x128xf32, #tpu.memory_space<hbm>> -> memref<8x128xf32, #tpu.memory_space<hbm>>
    %dma_start3A_323 = arith.constant 0 : i32
    %dma_start3A_324 = arith.constant 0 : i32
    %dma_start3A_325 = tpu.memref_slice %arg3[%dma_start3A_323, %dma_start3A_324] : memref<1042x128xf32, #tpu.memory_space<vmem_shared>> -> memref<8x128xf32, #tpu.memory_space<vmem_shared>>
    tpu.enqueue_dma source(%dma_start3A_325 : memref<8x128xf32, #tpu.memory_space<vmem_shared>>) target(%dma_start3A_322 : memref<8x128xf32, #tpu.memory_space<hbm>>) target_semaphore(%arg5 : memref<!tpu.dma_semaphore, #tpu.memory_space<semaphore_mem>>)
    %dma_start3A_326 = arith.constant 0 : i32
    %dma_start3A_327 = arith.constant 0 : i32
    %dma_start3A_328 = tpu.memref_slice %arg2[%add3A_5, %dma_start3A_326, %dma_start3A_327] : memref<512x512x128xf32, #tpu.memory_space<hbm>> -> memref<1x512x128xf32, #tpu.memory_space<hbm>>
    %dma_start3A_329 = tpu.memref_squeeze %dma_start3A_328 : memref<1x512x128xf32, #tpu.memory_space<hbm>> -> memref<512x128xf32, #tpu.memory_space<hbm>>
    %dma_start3A_330 = arith.constant 48 : i32
    %dma_start3A_331 = arith.constant 0 : i32
    %dma_start3A_332 = tpu.memref_slice %dma_start3A_329[%dma_start3A_330, %dma_start3A_331] : memref<512x128xf32, #tpu.memory_space<hbm>> -> memref<8x128xf32, #tpu.memory_space<hbm>>
    %dma_start3A_333 = arith.constant 522 : i32
    %dma_start3A_334 = arith.constant 0 : i32
    %dma_start3A_335 = tpu.memref_slice %arg3[%dma_start3A_333, %dma_start3A_334] : memref<1042x128xf32, #tpu.memory_space<vmem_shared>> -> memref<8x128xf32, #tpu.memory_space<vmem_shared>>
    tpu.enqueue_dma source(%dma_start3A_335 : memref<8x128xf32, #tpu.memory_space<vmem_shared>>) target(%dma_start3A_332 : memref<8x128xf32, #tpu.memory_space<hbm>>) target_semaphore(%arg5 : memref<!tpu.dma_semaphore, #tpu.memory_space<semaphore_mem>>)
    %dma_start3A_336 = arith.constant 0 : i32
    %dma_start3A_337 = arith.constant 0 : i32
    %dma_start3A_338 = tpu.memref_slice %arg2[%add3A_1, %dma_start3A_336, %dma_start3A_337] : memref<512x512x128xf32, #tpu.memory_space<hbm>> -> memref<1x512x128xf32, #tpu.memory_space<hbm>>
    %dma_start3A_339 = tpu.memref_squeeze %dma_start3A_338 : memref<1x512x128xf32, #tpu.memory_space<hbm>> -> memref<512x128xf32, #tpu.memory_space<hbm>>
    %dma_start3A_340 = arith.constant 56 : i32
    %dma_start3A_341 = arith.constant 0 : i32
    %dma_start3A_342 = tpu.memref_slice %dma_start3A_339[%dma_start3A_340, %dma_start3A_341] : memref<512x128xf32, #tpu.memory_space<hbm>> -> memref<8x128xf32, #tpu.memory_space<hbm>>
    %dma_start3A_343 = arith.constant 0 : i32
    %dma_start3A_344 = arith.constant 0 : i32
    %dma_start3A_345 = tpu.memref_slice %arg3[%dma_start3A_343, %dma_start3A_344] : memref<1042x128xf32, #tpu.memory_space<vmem_shared>> -> memref<8x128xf32, #tpu.memory_space<vmem_shared>>
    tpu.enqueue_dma source(%dma_start3A_345 : memref<8x128xf32, #tpu.memory_space<vmem_shared>>) target(%dma_start3A_342 : memref<8x128xf32, #tpu.memory_space<hbm>>) target_semaphore(%arg5 : memref<!tpu.dma_semaphore, #tpu.memory_space<semaphore_mem>>)
    %dma_start3A_346 = arith.constant 0 : i32
    %dma_start3A_347 = arith.constant 0 : i32
    %dma_start3A_348 = tpu.memref_slice %arg2[%add3A_5, %dma_start3A_346, %dma_start3A_347] : memref<512x512x128xf32, #tpu.memory_space<hbm>> -> memref<1x512x128xf32, #tpu.memory_space<hbm>>
    %dma_start3A_349 = tpu.memref_squeeze %dma_start3A_348 : memref<1x512x128xf32, #tpu.memory_space<hbm>> -> memref<512x128xf32, #tpu.memory_space<hbm>>
    %dma_start3A_350 = arith.constant 56 : i32
    %dma_start3A_351 = arith.constant 0 : i32
    %dma_start3A_352 = tpu.memref_slice %dma_start3A_349[%dma_start3A_350, %dma_start3A_351] : memref<512x128xf32, #tpu.memory_space<hbm>> -> memref<8x128xf32, #tpu.memory_space<hbm>>
    %dma_start3A_353 = arith.constant 522 : i32
    %dma_start3A_354 = arith.constant 0 : i32
    %dma_start3A_355 = tpu.memref_slice %arg3[%dma_start3A_353, %dma_start3A_354] : memref<1042x128xf32, #tpu.memory_space<vmem_shared>> -> memref<8x128xf32, #tpu.memory_space<vmem_shared>>
    tpu.enqueue_dma source(%dma_start3A_355 : memref<8x128xf32, #tpu.memory_space<vmem_shared>>) target(%dma_start3A_352 : memref<8x128xf32, #tpu.memory_space<hbm>>) target_semaphore(%arg5 : memref<!tpu.dma_semaphore, #tpu.memory_space<semaphore_mem>>)
    %dma_wait3A_356 = arith.constant 0 : i32
    %dma_wait3A_357 = arith.constant 0 : i32
    %dma_wait3A_358 = tpu.memref_slice %arg2[%add3A_1, %dma_wait3A_356, %dma_wait3A_357] : memref<512x512x128xf32, #tpu.memory_space<hbm>> -> memref<1x512x128xf32, #tpu.memory_space<hbm>>
    %dma_wait3A_359 = tpu.memref_squeeze %dma_wait3A_358 : memref<1x512x128xf32, #tpu.memory_space<hbm>> -> memref<512x128xf32, #tpu.memory_space<hbm>>
    %dma_wait3A_360 = arith.constant 0 : i32
    %dma_wait3A_361 = arith.constant 0 : i32
    %dma_wait3A_362 = tpu.memref_slice %dma_wait3A_359[%dma_wait3A_360, %dma_wait3A_361] : memref<512x128xf32, #tpu.memory_space<hbm>> -> memref<8x128xf32, #tpu.memory_space<hbm>>
    %dma_wait3A_363 = arith.constant 0 : i32
    %dma_wait3A_364 = arith.constant 0 : i32
    %dma_wait3A_365 = tpu.memref_slice %arg3[%dma_wait3A_363, %dma_wait3A_364] : memref<1042x128xf32, #tpu.memory_space<vmem_shared>> -> memref<8x128xf32, #tpu.memory_space<vmem_shared>>
    tpu.wait_dma2 semaphore(%arg5 : memref<!tpu.dma_semaphore, #tpu.memory_space<semaphore_mem>>) src(%dma_wait3A_365 : memref<8x128xf32, #tpu.memory_space<vmem_shared>>) dst(%dma_wait3A_362 : memref<8x128xf32, #tpu.memory_space<hbm>>)
    %dma_wait3A_366 = arith.constant 0 : i32
    %dma_wait3A_367 = arith.constant 0 : i32
    %dma_wait3A_368 = tpu.memref_slice %arg2[%add3A_5, %dma_wait3A_366, %dma_wait3A_367] : memref<512x512x128xf32, #tpu.memory_space<hbm>> -> memref<1x512x128xf32, #tpu.memory_space<hbm>>
    %dma_wait3A_369 = tpu.memref_squeeze %dma_wait3A_368 : memref<1x512x128xf32, #tpu.memory_space<hbm>> -> memref<512x128xf32, #tpu.memory_space<hbm>>
    %dma_wait3A_370 = arith.constant 0 : i32
    %dma_wait3A_371 = arith.constant 0 : i32
    %dma_wait3A_372 = tpu.memref_slice %dma_wait3A_369[%dma_wait3A_370, %dma_wait3A_371] : memref<512x128xf32, #tpu.memory_space<hbm>> -> memref<8x128xf32, #tpu.memory_space<hbm>>
    %dma_wait3A_373 = arith.constant 522 : i32
    %dma_wait3A_374 = arith.constant 0 : i32
    %dma_wait3A_375 = tpu.memref_slice %arg3[%dma_wait3A_373, %dma_wait3A_374] : memref<1042x128xf32, #tpu.memory_space<vmem_shared>> -> memref<8x128xf32, #tpu.memory_space<vmem_shared>>
    tpu.wait_dma2 semaphore(%arg5 : memref<!tpu.dma_semaphore, #tpu.memory_space<semaphore_mem>>) src(%dma_wait3A_375 : memref<8x128xf32, #tpu.memory_space<vmem_shared>>) dst(%dma_wait3A_372 : memref<8x128xf32, #tpu.memory_space<hbm>>)
    %dma_wait3A_376 = arith.constant 0 : i32
    %dma_wait3A_377 = arith.constant 0 : i32
    %dma_wait3A_378 = tpu.memref_slice %arg2[%add3A_1, %dma_wait3A_376, %dma_wait3A_377] : memref<512x512x128xf32, #tpu.memory_space<hbm>> -> memref<1x512x128xf32, #tpu.memory_space<hbm>>
    %dma_wait3A_379 = tpu.memref_squeeze %dma_wait3A_378 : memref<1x512x128xf32, #tpu.memory_space<hbm>> -> memref<512x128xf32, #tpu.memory_space<hbm>>
    %dma_wait3A_380 = arith.constant 8 : i32
    %dma_wait3A_381 = arith.constant 0 : i32
    %dma_wait3A_382 = tpu.memref_slice %dma_wait3A_379[%dma_wait3A_380, %dma_wait3A_381] : memref<512x128xf32, #tpu.memory_space<hbm>> -> memref<8x128xf32, #tpu.memory_space<hbm>>
    %dma_wait3A_383 = arith.constant 0 : i32
    %dma_wait3A_384 = arith.constant 0 : i32
    %dma_wait3A_385 = tpu.memref_slice %arg3[%dma_wait3A_383, %dma_wait3A_384] : memref<1042x128xf32, #tpu.memory_space<vmem_shared>> -> memref<8x128xf32, #tpu.memory_space<vmem_shared>>
    tpu.wait_dma2 semaphore(%arg5 : memref<!tpu.dma_semaphore, #tpu.memory_space<semaphore_mem>>) src(%dma_wait3A_385 : memref<8x128xf32, #tpu.memory_space<vmem_shared>>) dst(%dma_wait3A_382 : memref<8x128xf32, #tpu.memory_space<hbm>>)
    %dma_wait3A_386 = arith.constant 0 : i32
    %dma_wait3A_387 = arith.constant 0 : i32
    %dma_wait3A_388 = tpu.memref_slice %arg2[%add3A_5, %dma_wait3A_386, %dma_wait3A_387] : memref<512x512x128xf32, #tpu.memory_space<hbm>> -> memref<1x512x128xf32, #tpu.memory_space<hbm>>
    %dma_wait3A_389 = tpu.memref_squeeze %dma_wait3A_388 : memref<1x512x128xf32, #tpu.memory_space<hbm>> -> memref<512x128xf32, #tpu.memory_space<hbm>>
    %dma_wait3A_390 = arith.constant 8 : i32
    %dma_wait3A_391 = arith.constant 0 : i32
    %dma_wait3A_392 = tpu.memref_slice %dma_wait3A_389[%dma_wait3A_390, %dma_wait3A_391] : memref<512x128xf32, #tpu.memory_space<hbm>> -> memref<8x128xf32, #tpu.memory_space<hbm>>
    %dma_wait3A_393 = arith.constant 522 : i32
    %dma_wait3A_394 = arith.constant 0 : i32
    %dma_wait3A_395 = tpu.memref_slice %arg3[%dma_wait3A_393, %dma_wait3A_394] : memref<1042x128xf32, #tpu.memory_space<vmem_shared>> -> memref<8x128xf32, #tpu.memory_space<vmem_shared>>
    tpu.wait_dma2 semaphore(%arg5 : memref<!tpu.dma_semaphore, #tpu.memory_space<semaphore_mem>>) src(%dma_wait3A_395 : memref<8x128xf32, #tpu.memory_space<vmem_shared>>) dst(%dma_wait3A_392 : memref<8x128xf32, #tpu.memory_space<hbm>>)
    %dma_wait3A_396 = arith.constant 0 : i32
    %dma_wait3A_397 = arith.constant 0 : i32
    %dma_wait3A_398 = tpu.memref_slice %arg2[%add3A_1, %dma_wait3A_396, %dma_wait3A_397] : memref<512x512x128xf32, #tpu.memory_space<hbm>> -> memref<1x512x128xf32, #tpu.memory_space<hbm>>
    %dma_wait3A_399 = tpu.memref_squeeze %dma_wait3A_398 : memref<1x512x128xf32, #tpu.memory_space<hbm>> -> memref<512x128xf32, #tpu.memory_space<hbm>>
    %dma_wait3A_400 = arith.constant 16 : i32
    %dma_wait3A_401 = arith.constant 0 : i32
    %dma_wait3A_402 = tpu.memref_slice %dma_wait3A_399[%dma_wait3A_400, %dma_wait3A_401] : memref<512x128xf32, #tpu.memory_space<hbm>> -> memref<8x128xf32, #tpu.memory_space<hbm>>
    %dma_wait3A_403 = arith.constant 0 : i32
    %dma_wait3A_404 = arith.constant 0 : i32
    %dma_wait3A_405 = tpu.memref_slice %arg3[%dma_wait3A_403, %dma_wait3A_404] : memref<1042x128xf32, #tpu.memory_space<vmem_shared>> -> memref<8x128xf32, #tpu.memory_space<vmem_shared>>
    tpu.wait_dma2 semaphore(%arg5 : memref<!tpu.dma_semaphore, #tpu.memory_space<semaphore_mem>>) src(%dma_wait3A_405 : memref<8x128xf32, #tpu.memory_space<vmem_shared>>) dst(%dma_wait3A_402 : memref<8x128xf32, #tpu.memory_space<hbm>>)
    %dma_wait3A_406 = arith.constant 0 : i32
    %dma_wait3A_407 = arith.constant 0 : i32
    %dma_wait3A_408 = tpu.memref_slice %arg2[%add3A_5, %dma_wait3A_406, %dma_wait3A_407] : memref<512x512x128xf32, #tpu.memory_space<hbm>> -> memref<1x512x128xf32, #tpu.memory_space<hbm>>
    %dma_wait3A_409 = tpu.memref_squeeze %dma_wait3A_408 : memref<1x512x128xf32, #tpu.memory_space<hbm>> -> memref<512x128xf32, #tpu.memory_space<hbm>>
    %dma_wait3A_410 = arith.constant 16 : i32
    %dma_wait3A_411 = arith.constant 0 : i32
    %dma_wait3A_412 = tpu.memref_slice %dma_wait3A_409[%dma_wait3A_410, %dma_wait3A_411] : memref<512x128xf32, #tpu.memory_space<hbm>> -> memref<8x128xf32, #tpu.memory_space<hbm>>
    %dma_wait3A_413 = arith.constant 522 : i32
    %dma_wait3A_414 = arith.constant 0 : i32
    %dma_wait3A_415 = tpu.memref_slice %arg3[%dma_wait3A_413, %dma_wait3A_414] : memref<1042x128xf32, #tpu.memory_space<vmem_shared>> -> memref<8x128xf32, #tpu.memory_space<vmem_shared>>
    tpu.wait_dma2 semaphore(%arg5 : memref<!tpu.dma_semaphore, #tpu.memory_space<semaphore_mem>>) src(%dma_wait3A_415 : memref<8x128xf32, #tpu.memory_space<vmem_shared>>) dst(%dma_wait3A_412 : memref<8x128xf32, #tpu.memory_space<hbm>>)
    %dma_wait3A_416 = arith.constant 0 : i32
    %dma_wait3A_417 = arith.constant 0 : i32
    %dma_wait3A_418 = tpu.memref_slice %arg2[%add3A_1, %dma_wait3A_416, %dma_wait3A_417] : memref<512x512x128xf32, #tpu.memory_space<hbm>> -> memref<1x512x128xf32, #tpu.memory_space<hbm>>
    %dma_wait3A_419 = tpu.memref_squeeze %dma_wait3A_418 : memref<1x512x128xf32, #tpu.memory_space<hbm>> -> memref<512x128xf32, #tpu.memory_space<hbm>>
    %dma_wait3A_420 = arith.constant 24 : i32
    %dma_wait3A_421 = arith.constant 0 : i32
    %dma_wait3A_422 = tpu.memref_slice %dma_wait3A_419[%dma_wait3A_420, %dma_wait3A_421] : memref<512x128xf32, #tpu.memory_space<hbm>> -> memref<8x128xf32, #tpu.memory_space<hbm>>
    %dma_wait3A_423 = arith.constant 0 : i32
    %dma_wait3A_424 = arith.constant 0 : i32
    %dma_wait3A_425 = tpu.memref_slice %arg3[%dma_wait3A_423, %dma_wait3A_424] : memref<1042x128xf32, #tpu.memory_space<vmem_shared>> -> memref<8x128xf32, #tpu.memory_space<vmem_shared>>
    tpu.wait_dma2 semaphore(%arg5 : memref<!tpu.dma_semaphore, #tpu.memory_space<semaphore_mem>>) src(%dma_wait3A_425 : memref<8x128xf32, #tpu.memory_space<vmem_shared>>) dst(%dma_wait3A_422 : memref<8x128xf32, #tpu.memory_space<hbm>>)
    %dma_wait3A_426 = arith.constant 0 : i32
    %dma_wait3A_427 = arith.constant 0 : i32
    %dma_wait3A_428 = tpu.memref_slice %arg2[%add3A_5, %dma_wait3A_426, %dma_wait3A_427] : memref<512x512x128xf32, #tpu.memory_space<hbm>> -> memref<1x512x128xf32, #tpu.memory_space<hbm>>
    %dma_wait3A_429 = tpu.memref_squeeze %dma_wait3A_428 : memref<1x512x128xf32, #tpu.memory_space<hbm>> -> memref<512x128xf32, #tpu.memory_space<hbm>>
    %dma_wait3A_430 = arith.constant 24 : i32
    %dma_wait3A_431 = arith.constant 0 : i32
    %dma_wait3A_432 = tpu.memref_slice %dma_wait3A_429[%dma_wait3A_430, %dma_wait3A_431] : memref<512x128xf32, #tpu.memory_space<hbm>> -> memref<8x128xf32, #tpu.memory_space<hbm>>
    %dma_wait3A_433 = arith.constant 522 : i32
    %dma_wait3A_434 = arith.constant 0 : i32
    %dma_wait3A_435 = tpu.memref_slice %arg3[%dma_wait3A_433, %dma_wait3A_434] : memref<1042x128xf32, #tpu.memory_space<vmem_shared>> -> memref<8x128xf32, #tpu.memory_space<vmem_shared>>
    tpu.wait_dma2 semaphore(%arg5 : memref<!tpu.dma_semaphore, #tpu.memory_space<semaphore_mem>>) src(%dma_wait3A_435 : memref<8x128xf32, #tpu.memory_space<vmem_shared>>) dst(%dma_wait3A_432 : memref<8x128xf32, #tpu.memory_space<hbm>>)
    %dma_wait3A_436 = arith.constant 0 : i32
    %dma_wait3A_437 = arith.constant 0 : i32
    %dma_wait3A_438 = tpu.memref_slice %arg2[%add3A_1, %dma_wait3A_436, %dma_wait3A_437] : memref<512x512x128xf32, #tpu.memory_space<hbm>> -> memref<1x512x128xf32, #tpu.memory_space<hbm>>
    %dma_wait3A_439 = tpu.memref_squeeze %dma_wait3A_438 : memref<1x512x128xf32, #tpu.memory_space<hbm>> -> memref<512x128xf32, #tpu.memory_space<hbm>>
    %dma_wait3A_440 = arith.constant 32 : i32
    %dma_wait3A_441 = arith.constant 0 : i32
    %dma_wait3A_442 = tpu.memref_slice %dma_wait3A_439[%dma_wait3A_440, %dma_wait3A_441] : memref<512x128xf32, #tpu.memory_space<hbm>> -> memref<8x128xf32, #tpu.memory_space<hbm>>
    %dma_wait3A_443 = arith.constant 0 : i32
    %dma_wait3A_444 = arith.constant 0 : i32
    %dma_wait3A_445 = tpu.memref_slice %arg3[%dma_wait3A_443, %dma_wait3A_444] : memref<1042x128xf32, #tpu.memory_space<vmem_shared>> -> memref<8x128xf32, #tpu.memory_space<vmem_shared>>
    tpu.wait_dma2 semaphore(%arg5 : memref<!tpu.dma_semaphore, #tpu.memory_space<semaphore_mem>>) src(%dma_wait3A_445 : memref<8x128xf32, #tpu.memory_space<vmem_shared>>) dst(%dma_wait3A_442 : memref<8x128xf32, #tpu.memory_space<hbm>>)
    %dma_wait3A_446 = arith.constant 0 : i32
    %dma_wait3A_447 = arith.constant 0 : i32
    %dma_wait3A_448 = tpu.memref_slice %arg2[%add3A_5, %dma_wait3A_446, %dma_wait3A_447] : memref<512x512x128xf32, #tpu.memory_space<hbm>> -> memref<1x512x128xf32, #tpu.memory_space<hbm>>
    %dma_wait3A_449 = tpu.memref_squeeze %dma_wait3A_448 : memref<1x512x128xf32, #tpu.memory_space<hbm>> -> memref<512x128xf32, #tpu.memory_space<hbm>>
    %dma_wait3A_450 = arith.constant 32 : i32
    %dma_wait3A_451 = arith.constant 0 : i32
    %dma_wait3A_452 = tpu.memref_slice %dma_wait3A_449[%dma_wait3A_450, %dma_wait3A_451] : memref<512x128xf32, #tpu.memory_space<hbm>> -> memref<8x128xf32, #tpu.memory_space<hbm>>
    %dma_wait3A_453 = arith.constant 522 : i32
    %dma_wait3A_454 = arith.constant 0 : i32
    %dma_wait3A_455 = tpu.memref_slice %arg3[%dma_wait3A_453, %dma_wait3A_454] : memref<1042x128xf32, #tpu.memory_space<vmem_shared>> -> memref<8x128xf32, #tpu.memory_space<vmem_shared>>
    tpu.wait_dma2 semaphore(%arg5 : memref<!tpu.dma_semaphore, #tpu.memory_space<semaphore_mem>>) src(%dma_wait3A_455 : memref<8x128xf32, #tpu.memory_space<vmem_shared>>) dst(%dma_wait3A_452 : memref<8x128xf32, #tpu.memory_space<hbm>>)
    %dma_wait3A_456 = arith.constant 0 : i32
    %dma_wait3A_457 = arith.constant 0 : i32
    %dma_wait3A_458 = tpu.memref_slice %arg2[%add3A_1, %dma_wait3A_456, %dma_wait3A_457] : memref<512x512x128xf32, #tpu.memory_space<hbm>> -> memref<1x512x128xf32, #tpu.memory_space<hbm>>
    %dma_wait3A_459 = tpu.memref_squeeze %dma_wait3A_458 : memref<1x512x128xf32, #tpu.memory_space<hbm>> -> memref<512x128xf32, #tpu.memory_space<hbm>>
    %dma_wait3A_460 = arith.constant 40 : i32
    %dma_wait3A_461 = arith.constant 0 : i32
    %dma_wait3A_462 = tpu.memref_slice %dma_wait3A_459[%dma_wait3A_460, %dma_wait3A_461] : memref<512x128xf32, #tpu.memory_space<hbm>> -> memref<8x128xf32, #tpu.memory_space<hbm>>
    %dma_wait3A_463 = arith.constant 0 : i32
    %dma_wait3A_464 = arith.constant 0 : i32
    %dma_wait3A_465 = tpu.memref_slice %arg3[%dma_wait3A_463, %dma_wait3A_464] : memref<1042x128xf32, #tpu.memory_space<vmem_shared>> -> memref<8x128xf32, #tpu.memory_space<vmem_shared>>
    tpu.wait_dma2 semaphore(%arg5 : memref<!tpu.dma_semaphore, #tpu.memory_space<semaphore_mem>>) src(%dma_wait3A_465 : memref<8x128xf32, #tpu.memory_space<vmem_shared>>) dst(%dma_wait3A_462 : memref<8x128xf32, #tpu.memory_space<hbm>>)
    %dma_wait3A_466 = arith.constant 0 : i32
    %dma_wait3A_467 = arith.constant 0 : i32
    %dma_wait3A_468 = tpu.memref_slice %arg2[%add3A_5, %dma_wait3A_466, %dma_wait3A_467] : memref<512x512x128xf32, #tpu.memory_space<hbm>> -> memref<1x512x128xf32, #tpu.memory_space<hbm>>
    %dma_wait3A_469 = tpu.memref_squeeze %dma_wait3A_468 : memref<1x512x128xf32, #tpu.memory_space<hbm>> -> memref<512x128xf32, #tpu.memory_space<hbm>>
    %dma_wait3A_470 = arith.constant 40 : i32
    %dma_wait3A_471 = arith.constant 0 : i32
    %dma_wait3A_472 = tpu.memref_slice %dma_wait3A_469[%dma_wait3A_470, %dma_wait3A_471] : memref<512x128xf32, #tpu.memory_space<hbm>> -> memref<8x128xf32, #tpu.memory_space<hbm>>
    %dma_wait3A_473 = arith.constant 522 : i32
    %dma_wait3A_474 = arith.constant 0 : i32
    %dma_wait3A_475 = tpu.memref_slice %arg3[%dma_wait3A_473, %dma_wait3A_474] : memref<1042x128xf32, #tpu.memory_space<vmem_shared>> -> memref<8x128xf32, #tpu.memory_space<vmem_shared>>
    tpu.wait_dma2 semaphore(%arg5 : memref<!tpu.dma_semaphore, #tpu.memory_space<semaphore_mem>>) src(%dma_wait3A_475 : memref<8x128xf32, #tpu.memory_space<vmem_shared>>) dst(%dma_wait3A_472 : memref<8x128xf32, #tpu.memory_space<hbm>>)
    %dma_wait3A_476 = arith.constant 0 : i32
    %dma_wait3A_477 = arith.constant 0 : i32
    %dma_wait3A_478 = tpu.memref_slice %arg2[%add3A_1, %dma_wait3A_476, %dma_wait3A_477] : memref<512x512x128xf32, #tpu.memory_space<hbm>> -> memref<1x512x128xf32, #tpu.memory_space<hbm>>
    %dma_wait3A_479 = tpu.memref_squeeze %dma_wait3A_478 : memref<1x512x128xf32, #tpu.memory_space<hbm>> -> memref<512x128xf32, #tpu.memory_space<hbm>>
    %dma_wait3A_480 = arith.constant 48 : i32
    %dma_wait3A_481 = arith.constant 0 : i32
    %dma_wait3A_482 = tpu.memref_slice %dma_wait3A_479[%dma_wait3A_480, %dma_wait3A_481] : memref<512x128xf32, #tpu.memory_space<hbm>> -> memref<8x128xf32, #tpu.memory_space<hbm>>
    %dma_wait3A_483 = arith.constant 0 : i32
    %dma_wait3A_484 = arith.constant 0 : i32
    %dma_wait3A_485 = tpu.memref_slice %arg3[%dma_wait3A_483, %dma_wait3A_484] : memref<1042x128xf32, #tpu.memory_space<vmem_shared>> -> memref<8x128xf32, #tpu.memory_space<vmem_shared>>
    tpu.wait_dma2 semaphore(%arg5 : memref<!tpu.dma_semaphore, #tpu.memory_space<semaphore_mem>>) src(%dma_wait3A_485 : memref<8x128xf32, #tpu.memory_space<vmem_shared>>) dst(%dma_wait3A_482 : memref<8x128xf32, #tpu.memory_space<hbm>>)
    %dma_wait3A_486 = arith.constant 0 : i32
    %dma_wait3A_487 = arith.constant 0 : i32
    %dma_wait3A_488 = tpu.memref_slice %arg2[%add3A_5, %dma_wait3A_486, %dma_wait3A_487] : memref<512x512x128xf32, #tpu.memory_space<hbm>> -> memref<1x512x128xf32, #tpu.memory_space<hbm>>
    %dma_wait3A_489 = tpu.memref_squeeze %dma_wait3A_488 : memref<1x512x128xf32, #tpu.memory_space<hbm>> -> memref<512x128xf32, #tpu.memory_space<hbm>>
    %dma_wait3A_490 = arith.constant 48 : i32
    %dma_wait3A_491 = arith.constant 0 : i32
    %dma_wait3A_492 = tpu.memref_slice %dma_wait3A_489[%dma_wait3A_490, %dma_wait3A_491] : memref<512x128xf32, #tpu.memory_space<hbm>> -> memref<8x128xf32, #tpu.memory_space<hbm>>
    %dma_wait3A_493 = arith.constant 522 : i32
    %dma_wait3A_494 = arith.constant 0 : i32
    %dma_wait3A_495 = tpu.memref_slice %arg3[%dma_wait3A_493, %dma_wait3A_494] : memref<1042x128xf32, #tpu.memory_space<vmem_shared>> -> memref<8x128xf32, #tpu.memory_space<vmem_shared>>
    tpu.wait_dma2 semaphore(%arg5 : memref<!tpu.dma_semaphore, #tpu.memory_space<semaphore_mem>>) src(%dma_wait3A_495 : memref<8x128xf32, #tpu.memory_space<vmem_shared>>) dst(%dma_wait3A_492 : memref<8x128xf32, #tpu.memory_space<hbm>>)
    %dma_wait3A_496 = arith.constant 0 : i32
    %dma_wait3A_497 = arith.constant 0 : i32
    %dma_wait3A_498 = tpu.memref_slice %arg2[%add3A_1, %dma_wait3A_496, %dma_wait3A_497] : memref<512x512x128xf32, #tpu.memory_space<hbm>> -> memref<1x512x128xf32, #tpu.memory_space<hbm>>
    %dma_wait3A_499 = tpu.memref_squeeze %dma_wait3A_498 : memref<1x512x128xf32, #tpu.memory_space<hbm>> -> memref<512x128xf32, #tpu.memory_space<hbm>>
    %dma_wait3A_500 = arith.constant 56 : i32
    %dma_wait3A_501 = arith.constant 0 : i32
    %dma_wait3A_502 = tpu.memref_slice %dma_wait3A_499[%dma_wait3A_500, %dma_wait3A_501] : memref<512x128xf32, #tpu.memory_space<hbm>> -> memref<8x128xf32, #tpu.memory_space<hbm>>
    %dma_wait3A_503 = arith.constant 0 : i32
    %dma_wait3A_504 = arith.constant 0 : i32
    %dma_wait3A_505 = tpu.memref_slice %arg3[%dma_wait3A_503, %dma_wait3A_504] : memref<1042x128xf32, #tpu.memory_space<vmem_shared>> -> memref<8x128xf32, #tpu.memory_space<vmem_shared>>
    tpu.wait_dma2 semaphore(%arg5 : memref<!tpu.dma_semaphore, #tpu.memory_space<semaphore_mem>>) src(%dma_wait3A_505 : memref<8x128xf32, #tpu.memory_space<vmem_shared>>) dst(%dma_wait3A_502 : memref<8x128xf32, #tpu.memory_space<hbm>>)
    %dma_wait3A_506 = arith.constant 0 : i32
    %dma_wait3A_507 = arith.constant 0 : i32
    %dma_wait3A_508 = tpu.memref_slice %arg2[%add3A_5, %dma_wait3A_506, %dma_wait3A_507] : memref<512x512x128xf32, #tpu.memory_space<hbm>> -> memref<1x512x128xf32, #tpu.memory_space<hbm>>
    %dma_wait3A_509 = tpu.memref_squeeze %dma_wait3A_508 : memref<1x512x128xf32, #tpu.memory_space<hbm>> -> memref<512x128xf32, #tpu.memory_space<hbm>>
    %dma_wait3A_510 = arith.constant 56 : i32
    %dma_wait3A_511 = arith.constant 0 : i32
    %dma_wait3A_512 = tpu.memref_slice %dma_wait3A_509[%dma_wait3A_510, %dma_wait3A_511] : memref<512x128xf32, #tpu.memory_space<hbm>> -> memref<8x128xf32, #tpu.memory_space<hbm>>
    %dma_wait3A_513 = arith.constant 522 : i32
    %dma_wait3A_514 = arith.constant 0 : i32
    %dma_wait3A_515 = tpu.memref_slice %arg3[%dma_wait3A_513, %dma_wait3A_514] : memref<1042x128xf32, #tpu.memory_space<vmem_shared>> -> memref<8x128xf32, #tpu.memory_space<vmem_shared>>
    tpu.wait_dma2 semaphore(%arg5 : memref<!tpu.dma_semaphore, #tpu.memory_space<semaphore_mem>>) src(%dma_wait3A_515 : memref<8x128xf32, #tpu.memory_space<vmem_shared>>) dst(%dma_wait3A_512 : memref<8x128xf32, #tpu.memory_space<hbm>>)
    %eq3A = arith.constant 0 : i32
    %eq3A_516 = arith.cmpi eq, %arg0, %eq3A : i32
    %convert_element_type3A = arith.extui %eq3A_516 : i1 to i32
    %cond3A = arith.constant 0 : i32
    %cond3A_517 = arith.cmpi ne, %convert_element_type3A, %cond3A : i32
    scf.if %cond3A_517 {
      %dma_start3A_528 = arith.constant 530 : i32
      %dma_start3A_529 = arith.constant 0 : i32
      %dma_start3A_530 = tpu.memref_slice %arg3[%dma_start3A_528, %dma_start3A_529] : memref<1042x128xf32, #tpu.memory_space<vmem_shared>> -> memref<64x128xf32, #tpu.memory_space<vmem_shared>>
      %dma_start3A_531 = arith.constant 0 : i32
      %dma_start3A_532 = arith.constant 0 : i32
      %dma_start3A_533 = tpu.memref_slice %arg2[%add3A_5, %dma_start3A_531, %dma_start3A_532] : memref<512x512x128xf32, #tpu.memory_space<hbm>> -> memref<1x512x128xf32, #tpu.memory_space<hbm>>
      %dma_start3A_534 = tpu.memref_squeeze %dma_start3A_533 : memref<1x512x128xf32, #tpu.memory_space<hbm>> -> memref<512x128xf32, #tpu.memory_space<hbm>>
      %dma_start3A_535 = arith.constant 0 : i32
      %dma_start3A_536 = arith.constant 0 : i32
      %dma_start3A_537 = tpu.memref_slice %dma_start3A_534[%dma_start3A_535, %dma_start3A_536] : memref<512x128xf32, #tpu.memory_space<hbm>> -> memref<64x128xf32, #tpu.memory_space<hbm>>
      tpu.enqueue_dma source(%dma_start3A_537 : memref<64x128xf32, #tpu.memory_space<hbm>>) target(%dma_start3A_530 : memref<64x128xf32, #tpu.memory_space<vmem_shared>>) target_semaphore(%arg5 : memref<!tpu.dma_semaphore, #tpu.memory_space<semaphore_mem>>)
      %dma_start3A_538 = arith.constant 594 : i32
      %dma_start3A_539 = arith.constant 0 : i32
      %dma_start3A_540 = tpu.memref_slice %arg3[%dma_start3A_538, %dma_start3A_539] : memref<1042x128xf32, #tpu.memory_space<vmem_shared>> -> memref<64x128xf32, #tpu.memory_space<vmem_shared>>
      %dma_start3A_541 = arith.constant 0 : i32
      %dma_start3A_542 = arith.constant 0 : i32
      %dma_start3A_543 = tpu.memref_slice %arg2[%add3A_5, %dma_start3A_541, %dma_start3A_542] : memref<512x512x128xf32, #tpu.memory_space<hbm>> -> memref<1x512x128xf32, #tpu.memory_space<hbm>>
      %dma_start3A_544 = tpu.memref_squeeze %dma_start3A_543 : memref<1x512x128xf32, #tpu.memory_space<hbm>> -> memref<512x128xf32, #tpu.memory_space<hbm>>
      %dma_start3A_545 = arith.constant 0 : i32
      %dma_start3A_546 = arith.constant 0 : i32
      %dma_start3A_547 = tpu.memref_slice %dma_start3A_544[%dma_start3A_545, %dma_start3A_546] : memref<512x128xf32, #tpu.memory_space<hbm>> -> memref<64x128xf32, #tpu.memory_space<hbm>>
      tpu.enqueue_dma source(%dma_start3A_547 : memref<64x128xf32, #tpu.memory_space<hbm>>) target(%dma_start3A_540 : memref<64x128xf32, #tpu.memory_space<vmem_shared>>) target_semaphore(%arg5 : memref<!tpu.dma_semaphore, #tpu.memory_space<semaphore_mem>>)
      %dma_start3A_548 = arith.constant 658 : i32
      %dma_start3A_549 = arith.constant 0 : i32
      %dma_start3A_550 = tpu.memref_slice %arg3[%dma_start3A_548, %dma_start3A_549] : memref<1042x128xf32, #tpu.memory_space<vmem_shared>> -> memref<64x128xf32, #tpu.memory_space<vmem_shared>>
      %dma_start3A_551 = arith.constant 0 : i32
      %dma_start3A_552 = arith.constant 0 : i32
      %dma_start3A_553 = tpu.memref_slice %arg2[%add3A_5, %dma_start3A_551, %dma_start3A_552] : memref<512x512x128xf32, #tpu.memory_space<hbm>> -> memref<1x512x128xf32, #tpu.memory_space<hbm>>
      %dma_start3A_554 = tpu.memref_squeeze %dma_start3A_553 : memref<1x512x128xf32, #tpu.memory_space<hbm>> -> memref<512x128xf32, #tpu.memory_space<hbm>>
      %dma_start3A_555 = arith.constant 0 : i32
      %dma_start3A_556 = arith.constant 0 : i32
      %dma_start3A_557 = tpu.memref_slice %dma_start3A_554[%dma_start3A_555, %dma_start3A_556] : memref<512x128xf32, #tpu.memory_space<hbm>> -> memref<64x128xf32, #tpu.memory_space<hbm>>
      tpu.enqueue_dma source(%dma_start3A_557 : memref<64x128xf32, #tpu.memory_space<hbm>>) target(%dma_start3A_550 : memref<64x128xf32, #tpu.memory_space<vmem_shared>>) target_semaphore(%arg5 : memref<!tpu.dma_semaphore, #tpu.memory_space<semaphore_mem>>)
      %dma_start3A_558 = arith.constant 722 : i32
      %dma_start3A_559 = arith.constant 0 : i32
      %dma_start3A_560 = tpu.memref_slice %arg3[%dma_start3A_558, %dma_start3A_559] : memref<1042x128xf32, #tpu.memory_space<vmem_shared>> -> memref<64x128xf32, #tpu.memory_space<vmem_shared>>
      %dma_start3A_561 = arith.constant 0 : i32
      %dma_start3A_562 = arith.constant 0 : i32
      %dma_start3A_563 = tpu.memref_slice %arg2[%add3A_5, %dma_start3A_561, %dma_start3A_562] : memref<512x512x128xf32, #tpu.memory_space<hbm>> -> memref<1x512x128xf32, #tpu.memory_space<hbm>>
      %dma_start3A_564 = tpu.memref_squeeze %dma_start3A_563 : memref<1x512x128xf32, #tpu.memory_space<hbm>> -> memref<512x128xf32, #tpu.memory_space<hbm>>
      %dma_start3A_565 = arith.constant 0 : i32
      %dma_start3A_566 = arith.constant 0 : i32
      %dma_start3A_567 = tpu.memref_slice %dma_start3A_564[%dma_start3A_565, %dma_start3A_566] : memref<512x128xf32, #tpu.memory_space<hbm>> -> memref<64x128xf32, #tpu.memory_space<hbm>>
      tpu.enqueue_dma source(%dma_start3A_567 : memref<64x128xf32, #tpu.memory_space<hbm>>) target(%dma_start3A_560 : memref<64x128xf32, #tpu.memory_space<vmem_shared>>) target_semaphore(%arg5 : memref<!tpu.dma_semaphore, #tpu.memory_space<semaphore_mem>>)
      %dma_start3A_568 = arith.constant 786 : i32
      %dma_start3A_569 = arith.constant 0 : i32
      %dma_start3A_570 = tpu.memref_slice %arg3[%dma_start3A_568, %dma_start3A_569] : memref<1042x128xf32, #tpu.memory_space<vmem_shared>> -> memref<64x128xf32, #tpu.memory_space<vmem_shared>>
      %dma_start3A_571 = arith.constant 0 : i32
      %dma_start3A_572 = arith.constant 0 : i32
      %dma_start3A_573 = tpu.memref_slice %arg2[%add3A_5, %dma_start3A_571, %dma_start3A_572] : memref<512x512x128xf32, #tpu.memory_space<hbm>> -> memref<1x512x128xf32, #tpu.memory_space<hbm>>
      %dma_start3A_574 = tpu.memref_squeeze %dma_start3A_573 : memref<1x512x128xf32, #tpu.memory_space<hbm>> -> memref<512x128xf32, #tpu.memory_space<hbm>>
      %dma_start3A_575 = arith.constant 0 : i32
      %dma_start3A_576 = arith.constant 0 : i32
      %dma_start3A_577 = tpu.memref_slice %dma_start3A_574[%dma_start3A_575, %dma_start3A_576] : memref<512x128xf32, #tpu.memory_space<hbm>> -> memref<64x128xf32, #tpu.memory_space<hbm>>
      tpu.enqueue_dma source(%dma_start3A_577 : memref<64x128xf32, #tpu.memory_space<hbm>>) target(%dma_start3A_570 : memref<64x128xf32, #tpu.memory_space<vmem_shared>>) target_semaphore(%arg5 : memref<!tpu.dma_semaphore, #tpu.memory_space<semaphore_mem>>)
      %dma_start3A_578 = arith.constant 850 : i32
      %dma_start3A_579 = arith.constant 0 : i32
      %dma_start3A_580 = tpu.memref_slice %arg3[%dma_start3A_578, %dma_start3A_579] : memref<1042x128xf32, #tpu.memory_space<vmem_shared>> -> memref<64x128xf32, #tpu.memory_space<vmem_shared>>
      %dma_start3A_581 = arith.constant 0 : i32
      %dma_start3A_582 = arith.constant 0 : i32
      %dma_start3A_583 = tpu.memref_slice %arg2[%add3A_5, %dma_start3A_581, %dma_start3A_582] : memref<512x512x128xf32, #tpu.memory_space<hbm>> -> memref<1x512x128xf32, #tpu.memory_space<hbm>>
      %dma_start3A_584 = tpu.memref_squeeze %dma_start3A_583 : memref<1x512x128xf32, #tpu.memory_space<hbm>> -> memref<512x128xf32, #tpu.memory_space<hbm>>
      %dma_start3A_585 = arith.constant 0 : i32
      %dma_start3A_586 = arith.constant 0 : i32
      %dma_start3A_587 = tpu.memref_slice %dma_start3A_584[%dma_start3A_585, %dma_start3A_586] : memref<512x128xf32, #tpu.memory_space<hbm>> -> memref<64x128xf32, #tpu.memory_space<hbm>>
      tpu.enqueue_dma source(%dma_start3A_587 : memref<64x128xf32, #tpu.memory_space<hbm>>) target(%dma_start3A_580 : memref<64x128xf32, #tpu.memory_space<vmem_shared>>) target_semaphore(%arg5 : memref<!tpu.dma_semaphore, #tpu.memory_space<semaphore_mem>>)
      %dma_start3A_588 = arith.constant 914 : i32
      %dma_start3A_589 = arith.constant 0 : i32
      %dma_start3A_590 = tpu.memref_slice %arg3[%dma_start3A_588, %dma_start3A_589] : memref<1042x128xf32, #tpu.memory_space<vmem_shared>> -> memref<64x128xf32, #tpu.memory_space<vmem_shared>>
      %dma_start3A_591 = arith.constant 0 : i32
      %dma_start3A_592 = arith.constant 0 : i32
      %dma_start3A_593 = tpu.memref_slice %arg2[%add3A_5, %dma_start3A_591, %dma_start3A_592] : memref<512x512x128xf32, #tpu.memory_space<hbm>> -> memref<1x512x128xf32, #tpu.memory_space<hbm>>
      %dma_start3A_594 = tpu.memref_squeeze %dma_start3A_593 : memref<1x512x128xf32, #tpu.memory_space<hbm>> -> memref<512x128xf32, #tpu.memory_space<hbm>>
      %dma_start3A_595 = arith.constant 0 : i32
      %dma_start3A_596 = arith.constant 0 : i32
      %dma_start3A_597 = tpu.memref_slice %dma_start3A_594[%dma_start3A_595, %dma_start3A_596] : memref<512x128xf32, #tpu.memory_space<hbm>> -> memref<64x128xf32, #tpu.memory_space<hbm>>
      tpu.enqueue_dma source(%dma_start3A_597 : memref<64x128xf32, #tpu.memory_space<hbm>>) target(%dma_start3A_590 : memref<64x128xf32, #tpu.memory_space<vmem_shared>>) target_semaphore(%arg5 : memref<!tpu.dma_semaphore, #tpu.memory_space<semaphore_mem>>)
      %dma_start3A_598 = arith.constant 978 : i32
      %dma_start3A_599 = arith.constant 0 : i32
      %dma_start3A_600 = tpu.memref_slice %arg3[%dma_start3A_598, %dma_start3A_599] : memref<1042x128xf32, #tpu.memory_space<vmem_shared>> -> memref<64x128xf32, #tpu.memory_space<vmem_shared>>
      %dma_start3A_601 = arith.constant 0 : i32
      %dma_start3A_602 = arith.constant 0 : i32
      %dma_start3A_603 = tpu.memref_slice %arg2[%add3A_5, %dma_start3A_601, %dma_start3A_602] : memref<512x512x128xf32, #tpu.memory_space<hbm>> -> memref<1x512x128xf32, #tpu.memory_space<hbm>>
      %dma_start3A_604 = tpu.memref_squeeze %dma_start3A_603 : memref<1x512x128xf32, #tpu.memory_space<hbm>> -> memref<512x128xf32, #tpu.memory_space<hbm>>
      %dma_start3A_605 = arith.constant 0 : i32
      %dma_start3A_606 = arith.constant 0 : i32
      %dma_start3A_607 = tpu.memref_slice %dma_start3A_604[%dma_start3A_605, %dma_start3A_606] : memref<512x128xf32, #tpu.memory_space<hbm>> -> memref<64x128xf32, #tpu.memory_space<hbm>>
      tpu.enqueue_dma source(%dma_start3A_607 : memref<64x128xf32, #tpu.memory_space<hbm>>) target(%dma_start3A_600 : memref<64x128xf32, #tpu.memory_space<vmem_shared>>) target_semaphore(%arg5 : memref<!tpu.dma_semaphore, #tpu.memory_space<semaphore_mem>>)
      %dma_wait3A_608 = arith.constant 530 : i32
      %dma_wait3A_609 = arith.constant 0 : i32
      %dma_wait3A_610 = tpu.memref_slice %arg3[%dma_wait3A_608, %dma_wait3A_609] : memref<1042x128xf32, #tpu.memory_space<vmem_shared>> -> memref<64x128xf32, #tpu.memory_space<vmem_shared>>
      %dma_wait3A_611 = arith.constant 0 : i32
      %dma_wait3A_612 = arith.constant 0 : i32
      %dma_wait3A_613 = tpu.memref_slice %arg2[%add3A_5, %dma_wait3A_611, %dma_wait3A_612] : memref<512x512x128xf32, #tpu.memory_space<hbm>> -> memref<1x512x128xf32, #tpu.memory_space<hbm>>
      %dma_wait3A_614 = tpu.memref_squeeze %dma_wait3A_613 : memref<1x512x128xf32, #tpu.memory_space<hbm>> -> memref<512x128xf32, #tpu.memory_space<hbm>>
      %dma_wait3A_615 = arith.constant 0 : i32
      %dma_wait3A_616 = arith.constant 0 : i32
      %dma_wait3A_617 = tpu.memref_slice %dma_wait3A_614[%dma_wait3A_615, %dma_wait3A_616] : memref<512x128xf32, #tpu.memory_space<hbm>> -> memref<64x128xf32, #tpu.memory_space<hbm>>
      tpu.wait_dma2 semaphore(%arg5 : memref<!tpu.dma_semaphore, #tpu.memory_space<semaphore_mem>>) src(%dma_wait3A_617 : memref<64x128xf32, #tpu.memory_space<hbm>>) dst(%dma_wait3A_610 : memref<64x128xf32, #tpu.memory_space<vmem_shared>>)
      %dma_wait3A_618 = arith.constant 594 : i32
      %dma_wait3A_619 = arith.constant 0 : i32
      %dma_wait3A_620 = tpu.memref_slice %arg3[%dma_wait3A_618, %dma_wait3A_619] : memref<1042x128xf32, #tpu.memory_space<vmem_shared>> -> memref<64x128xf32, #tpu.memory_space<vmem_shared>>
      %dma_wait3A_621 = arith.constant 0 : i32
      %dma_wait3A_622 = arith.constant 0 : i32
      %dma_wait3A_623 = tpu.memref_slice %arg2[%add3A_5, %dma_wait3A_621, %dma_wait3A_622] : memref<512x512x128xf32, #tpu.memory_space<hbm>> -> memref<1x512x128xf32, #tpu.memory_space<hbm>>
      %dma_wait3A_624 = tpu.memref_squeeze %dma_wait3A_623 : memref<1x512x128xf32, #tpu.memory_space<hbm>> -> memref<512x128xf32, #tpu.memory_space<hbm>>
      %dma_wait3A_625 = arith.constant 0 : i32
      %dma_wait3A_626 = arith.constant 0 : i32
      %dma_wait3A_627 = tpu.memref_slice %dma_wait3A_624[%dma_wait3A_625, %dma_wait3A_626] : memref<512x128xf32, #tpu.memory_space<hbm>> -> memref<64x128xf32, #tpu.memory_space<hbm>>
      tpu.wait_dma2 semaphore(%arg5 : memref<!tpu.dma_semaphore, #tpu.memory_space<semaphore_mem>>) src(%dma_wait3A_627 : memref<64x128xf32, #tpu.memory_space<hbm>>) dst(%dma_wait3A_620 : memref<64x128xf32, #tpu.memory_space<vmem_shared>>)
      %dma_wait3A_628 = arith.constant 658 : i32
      %dma_wait3A_629 = arith.constant 0 : i32
      %dma_wait3A_630 = tpu.memref_slice %arg3[%dma_wait3A_628, %dma_wait3A_629] : memref<1042x128xf32, #tpu.memory_space<vmem_shared>> -> memref<64x128xf32, #tpu.memory_space<vmem_shared>>
      %dma_wait3A_631 = arith.constant 0 : i32
      %dma_wait3A_632 = arith.constant 0 : i32
      %dma_wait3A_633 = tpu.memref_slice %arg2[%add3A_5, %dma_wait3A_631, %dma_wait3A_632] : memref<512x512x128xf32, #tpu.memory_space<hbm>> -> memref<1x512x128xf32, #tpu.memory_space<hbm>>
      %dma_wait3A_634 = tpu.memref_squeeze %dma_wait3A_633 : memref<1x512x128xf32, #tpu.memory_space<hbm>> -> memref<512x128xf32, #tpu.memory_space<hbm>>
      %dma_wait3A_635 = arith.constant 0 : i32
      %dma_wait3A_636 = arith.constant 0 : i32
      %dma_wait3A_637 = tpu.memref_slice %dma_wait3A_634[%dma_wait3A_635, %dma_wait3A_636] : memref<512x128xf32, #tpu.memory_space<hbm>> -> memref<64x128xf32, #tpu.memory_space<hbm>>
      tpu.wait_dma2 semaphore(%arg5 : memref<!tpu.dma_semaphore, #tpu.memory_space<semaphore_mem>>) src(%dma_wait3A_637 : memref<64x128xf32, #tpu.memory_space<hbm>>) dst(%dma_wait3A_630 : memref<64x128xf32, #tpu.memory_space<vmem_shared>>)
      %dma_wait3A_638 = arith.constant 722 : i32
      %dma_wait3A_639 = arith.constant 0 : i32
      %dma_wait3A_640 = tpu.memref_slice %arg3[%dma_wait3A_638, %dma_wait3A_639] : memref<1042x128xf32, #tpu.memory_space<vmem_shared>> -> memref<64x128xf32, #tpu.memory_space<vmem_shared>>
      %dma_wait3A_641 = arith.constant 0 : i32
      %dma_wait3A_642 = arith.constant 0 : i32
      %dma_wait3A_643 = tpu.memref_slice %arg2[%add3A_5, %dma_wait3A_641, %dma_wait3A_642] : memref<512x512x128xf32, #tpu.memory_space<hbm>> -> memref<1x512x128xf32, #tpu.memory_space<hbm>>
      %dma_wait3A_644 = tpu.memref_squeeze %dma_wait3A_643 : memref<1x512x128xf32, #tpu.memory_space<hbm>> -> memref<512x128xf32, #tpu.memory_space<hbm>>
      %dma_wait3A_645 = arith.constant 0 : i32
      %dma_wait3A_646 = arith.constant 0 : i32
      %dma_wait3A_647 = tpu.memref_slice %dma_wait3A_644[%dma_wait3A_645, %dma_wait3A_646] : memref<512x128xf32, #tpu.memory_space<hbm>> -> memref<64x128xf32, #tpu.memory_space<hbm>>
      tpu.wait_dma2 semaphore(%arg5 : memref<!tpu.dma_semaphore, #tpu.memory_space<semaphore_mem>>) src(%dma_wait3A_647 : memref<64x128xf32, #tpu.memory_space<hbm>>) dst(%dma_wait3A_640 : memref<64x128xf32, #tpu.memory_space<vmem_shared>>)
      %dma_wait3A_648 = arith.constant 786 : i32
      %dma_wait3A_649 = arith.constant 0 : i32
      %dma_wait3A_650 = tpu.memref_slice %arg3[%dma_wait3A_648, %dma_wait3A_649] : memref<1042x128xf32, #tpu.memory_space<vmem_shared>> -> memref<64x128xf32, #tpu.memory_space<vmem_shared>>
      %dma_wait3A_651 = arith.constant 0 : i32
      %dma_wait3A_652 = arith.constant 0 : i32
      %dma_wait3A_653 = tpu.memref_slice %arg2[%add3A_5, %dma_wait3A_651, %dma_wait3A_652] : memref<512x512x128xf32, #tpu.memory_space<hbm>> -> memref<1x512x128xf32, #tpu.memory_space<hbm>>
      %dma_wait3A_654 = tpu.memref_squeeze %dma_wait3A_653 : memref<1x512x128xf32, #tpu.memory_space<hbm>> -> memref<512x128xf32, #tpu.memory_space<hbm>>
      %dma_wait3A_655 = arith.constant 0 : i32
      %dma_wait3A_656 = arith.constant 0 : i32
      %dma_wait3A_657 = tpu.memref_slice %dma_wait3A_654[%dma_wait3A_655, %dma_wait3A_656] : memref<512x128xf32, #tpu.memory_space<hbm>> -> memref<64x128xf32, #tpu.memory_space<hbm>>
      tpu.wait_dma2 semaphore(%arg5 : memref<!tpu.dma_semaphore, #tpu.memory_space<semaphore_mem>>) src(%dma_wait3A_657 : memref<64x128xf32, #tpu.memory_space<hbm>>) dst(%dma_wait3A_650 : memref<64x128xf32, #tpu.memory_space<vmem_shared>>)
      %dma_wait3A_658 = arith.constant 850 : i32
      %dma_wait3A_659 = arith.constant 0 : i32
      %dma_wait3A_660 = tpu.memref_slice %arg3[%dma_wait3A_658, %dma_wait3A_659] : memref<1042x128xf32, #tpu.memory_space<vmem_shared>> -> memref<64x128xf32, #tpu.memory_space<vmem_shared>>
      %dma_wait3A_661 = arith.constant 0 : i32
      %dma_wait3A_662 = arith.constant 0 : i32
      %dma_wait3A_663 = tpu.memref_slice %arg2[%add3A_5, %dma_wait3A_661, %dma_wait3A_662] : memref<512x512x128xf32, #tpu.memory_space<hbm>> -> memref<1x512x128xf32, #tpu.memory_space<hbm>>
      %dma_wait3A_664 = tpu.memref_squeeze %dma_wait3A_663 : memref<1x512x128xf32, #tpu.memory_space<hbm>> -> memref<512x128xf32, #tpu.memory_space<hbm>>
      %dma_wait3A_665 = arith.constant 0 : i32
      %dma_wait3A_666 = arith.constant 0 : i32
      %dma_wait3A_667 = tpu.memref_slice %dma_wait3A_664[%dma_wait3A_665, %dma_wait3A_666] : memref<512x128xf32, #tpu.memory_space<hbm>> -> memref<64x128xf32, #tpu.memory_space<hbm>>
      tpu.wait_dma2 semaphore(%arg5 : memref<!tpu.dma_semaphore, #tpu.memory_space<semaphore_mem>>) src(%dma_wait3A_667 : memref<64x128xf32, #tpu.memory_space<hbm>>) dst(%dma_wait3A_660 : memref<64x128xf32, #tpu.memory_space<vmem_shared>>)
      %dma_wait3A_668 = arith.constant 914 : i32
      %dma_wait3A_669 = arith.constant 0 : i32
      %dma_wait3A_670 = tpu.memref_slice %arg3[%dma_wait3A_668, %dma_wait3A_669] : memref<1042x128xf32, #tpu.memory_space<vmem_shared>> -> memref<64x128xf32, #tpu.memory_space<vmem_shared>>
      %dma_wait3A_671 = arith.constant 0 : i32
      %dma_wait3A_672 = arith.constant 0 : i32
      %dma_wait3A_673 = tpu.memref_slice %arg2[%add3A_5, %dma_wait3A_671, %dma_wait3A_672] : memref<512x512x128xf32, #tpu.memory_space<hbm>> -> memref<1x512x128xf32, #tpu.memory_space<hbm>>
      %dma_wait3A_674 = tpu.memref_squeeze %dma_wait3A_673 : memref<1x512x128xf32, #tpu.memory_space<hbm>> -> memref<512x128xf32, #tpu.memory_space<hbm>>
      %dma_wait3A_675 = arith.constant 0 : i32
      %dma_wait3A_676 = arith.constant 0 : i32
      %dma_wait3A_677 = tpu.memref_slice %dma_wait3A_674[%dma_wait3A_675, %dma_wait3A_676] : memref<512x128xf32, #tpu.memory_space<hbm>> -> memref<64x128xf32, #tpu.memory_space<hbm>>
      tpu.wait_dma2 semaphore(%arg5 : memref<!tpu.dma_semaphore, #tpu.memory_space<semaphore_mem>>) src(%dma_wait3A_677 : memref<64x128xf32, #tpu.memory_space<hbm>>) dst(%dma_wait3A_670 : memref<64x128xf32, #tpu.memory_space<vmem_shared>>)
      %dma_wait3A_678 = arith.constant 978 : i32
      %dma_wait3A_679 = arith.constant 0 : i32
      %dma_wait3A_680 = tpu.memref_slice %arg3[%dma_wait3A_678, %dma_wait3A_679] : memref<1042x128xf32, #tpu.memory_space<vmem_shared>> -> memref<64x128xf32, #tpu.memory_space<vmem_shared>>
      %dma_wait3A_681 = arith.constant 0 : i32
      %dma_wait3A_682 = arith.constant 0 : i32
      %dma_wait3A_683 = tpu.memref_slice %arg2[%add3A_5, %dma_wait3A_681, %dma_wait3A_682] : memref<512x512x128xf32, #tpu.memory_space<hbm>> -> memref<1x512x128xf32, #tpu.memory_space<hbm>>
      %dma_wait3A_684 = tpu.memref_squeeze %dma_wait3A_683 : memref<1x512x128xf32, #tpu.memory_space<hbm>> -> memref<512x128xf32, #tpu.memory_space<hbm>>
      %dma_wait3A_685 = arith.constant 0 : i32
      %dma_wait3A_686 = arith.constant 0 : i32
      %dma_wait3A_687 = tpu.memref_slice %dma_wait3A_684[%dma_wait3A_685, %dma_wait3A_686] : memref<512x128xf32, #tpu.memory_space<hbm>> -> memref<64x128xf32, #tpu.memory_space<hbm>>
      tpu.wait_dma2 semaphore(%arg5 : memref<!tpu.dma_semaphore, #tpu.memory_space<semaphore_mem>>) src(%dma_wait3A_687 : memref<64x128xf32, #tpu.memory_space<hbm>>) dst(%dma_wait3A_680 : memref<64x128xf32, #tpu.memory_space<vmem_shared>>)
      %scan3A_688 = arith.constant 0 : i32
      %scan3A_689 = arith.constant 0 : i32
      %scan3A_690 = arith.constant 11 : i32
      %scan3A_691 = arith.addi %scan3A_689, %scan3A_690 : i32
      %scan3A_692 = arith.constant 1 : i32
      scf.for %scan3A_884 = %scan3A_689 to %scan3A_691 step %scan3A_692  : i32 {
        %add3A_885 = arith.addi %mul3A_0, %scan3A_884 : i32
        %sub3A = arith.constant 511 : i32
        %sub3A_886 = arith.subi %sub3A, %add3A_885 : i32
        %dma_start3A_887 = arith.constant 0 : i32
        %dma_start3A_888 = arith.constant 0 : i32
        %dma_start3A_889 = tpu.memref_slice %arg2[%add3A_885, %dma_start3A_887, %dma_start3A_888] : memref<512x512x128xf32, #tpu.memory_space<hbm>> -> memref<1x512x128xf32, #tpu.memory_space<hbm>>
        %dma_start3A_890 = tpu.memref_squeeze %dma_start3A_889 : memref<1x512x128xf32, #tpu.memory_space<hbm>> -> memref<512x128xf32, #tpu.memory_space<hbm>>
        %dma_start3A_891 = arith.constant 0 : i32
        %dma_start3A_892 = tpu.memref_slice %arg3[%sub3A_886, %dma_start3A_891] : memref<1042x128xf32, #tpu.memory_space<vmem_shared>> -> memref<512x128xf32, #tpu.memory_space<vmem_shared>>
        tpu.enqueue_dma source(%dma_start3A_892 : memref<512x128xf32, #tpu.memory_space<vmem_shared>>) target(%dma_start3A_890 : memref<512x128xf32, #tpu.memory_space<hbm>>) target_semaphore(%arg4 : memref<!tpu.dma_semaphore, #tpu.memory_space<semaphore_mem>>)
      }
      %scan3A_693 = arith.constant 11 : i32
      %dma_start3A_694 = arith.constant 8 : i32
      %dma_start3A_695 = arith.constant 0 : i32
      %dma_start3A_696 = tpu.memref_slice %arg3[%dma_start3A_694, %dma_start3A_695] : memref<1042x128xf32, #tpu.memory_space<vmem_shared>> -> memref<64x128xf32, #tpu.memory_space<vmem_shared>>
      %dma_start3A_697 = arith.constant 0 : i32
      %dma_start3A_698 = arith.constant 0 : i32
      %dma_start3A_699 = tpu.memref_slice %arg2[%add3A_1, %dma_start3A_697, %dma_start3A_698] : memref<512x512x128xf32, #tpu.memory_space<hbm>> -> memref<1x512x128xf32, #tpu.memory_space<hbm>>
      %dma_start3A_700 = tpu.memref_squeeze %dma_start3A_699 : memref<1x512x128xf32, #tpu.memory_space<hbm>> -> memref<512x128xf32, #tpu.memory_space<hbm>>
      %dma_start3A_701 = arith.constant 0 : i32
      %dma_start3A_702 = arith.constant 0 : i32
      %dma_start3A_703 = tpu.memref_slice %dma_start3A_700[%dma_start3A_701, %dma_start3A_702] : memref<512x128xf32, #tpu.memory_space<hbm>> -> memref<64x128xf32, #tpu.memory_space<hbm>>
      tpu.enqueue_dma source(%dma_start3A_703 : memref<64x128xf32, #tpu.memory_space<hbm>>) target(%dma_start3A_696 : memref<64x128xf32, #tpu.memory_space<vmem_shared>>) target_semaphore(%arg5 : memref<!tpu.dma_semaphore, #tpu.memory_space<semaphore_mem>>)
      %dma_start3A_704 = arith.constant 72 : i32
      %dma_start3A_705 = arith.constant 0 : i32
      %dma_start3A_706 = tpu.memref_slice %arg3[%dma_start3A_704, %dma_start3A_705] : memref<1042x128xf32, #tpu.memory_space<vmem_shared>> -> memref<64x128xf32, #tpu.memory_space<vmem_shared>>
      %dma_start3A_707 = arith.constant 0 : i32
      %dma_start3A_708 = arith.constant 0 : i32
      %dma_start3A_709 = tpu.memref_slice %arg2[%add3A_1, %dma_start3A_707, %dma_start3A_708] : memref<512x512x128xf32, #tpu.memory_space<hbm>> -> memref<1x512x128xf32, #tpu.memory_space<hbm>>
      %dma_start3A_710 = tpu.memref_squeeze %dma_start3A_709 : memref<1x512x128xf32, #tpu.memory_space<hbm>> -> memref<512x128xf32, #tpu.memory_space<hbm>>
      %dma_start3A_711 = arith.constant 0 : i32
      %dma_start3A_712 = arith.constant 0 : i32
      %dma_start3A_713 = tpu.memref_slice %dma_start3A_710[%dma_start3A_711, %dma_start3A_712] : memref<512x128xf32, #tpu.memory_space<hbm>> -> memref<64x128xf32, #tpu.memory_space<hbm>>
      tpu.enqueue_dma source(%dma_start3A_713 : memref<64x128xf32, #tpu.memory_space<hbm>>) target(%dma_start3A_706 : memref<64x128xf32, #tpu.memory_space<vmem_shared>>) target_semaphore(%arg5 : memref<!tpu.dma_semaphore, #tpu.memory_space<semaphore_mem>>)
      %dma_start3A_714 = arith.constant 136 : i32
      %dma_start3A_715 = arith.constant 0 : i32
      %dma_start3A_716 = tpu.memref_slice %arg3[%dma_start3A_714, %dma_start3A_715] : memref<1042x128xf32, #tpu.memory_space<vmem_shared>> -> memref<64x128xf32, #tpu.memory_space<vmem_shared>>
      %dma_start3A_717 = arith.constant 0 : i32
      %dma_start3A_718 = arith.constant 0 : i32
      %dma_start3A_719 = tpu.memref_slice %arg2[%add3A_1, %dma_start3A_717, %dma_start3A_718] : memref<512x512x128xf32, #tpu.memory_space<hbm>> -> memref<1x512x128xf32, #tpu.memory_space<hbm>>
      %dma_start3A_720 = tpu.memref_squeeze %dma_start3A_719 : memref<1x512x128xf32, #tpu.memory_space<hbm>> -> memref<512x128xf32, #tpu.memory_space<hbm>>
      %dma_start3A_721 = arith.constant 0 : i32
      %dma_start3A_722 = arith.constant 0 : i32
      %dma_start3A_723 = tpu.memref_slice %dma_start3A_720[%dma_start3A_721, %dma_start3A_722] : memref<512x128xf32, #tpu.memory_space<hbm>> -> memref<64x128xf32, #tpu.memory_space<hbm>>
      tpu.enqueue_dma source(%dma_start3A_723 : memref<64x128xf32, #tpu.memory_space<hbm>>) target(%dma_start3A_716 : memref<64x128xf32, #tpu.memory_space<vmem_shared>>) target_semaphore(%arg5 : memref<!tpu.dma_semaphore, #tpu.memory_space<semaphore_mem>>)
      %dma_start3A_724 = arith.constant 200 : i32
      %dma_start3A_725 = arith.constant 0 : i32
      %dma_start3A_726 = tpu.memref_slice %arg3[%dma_start3A_724, %dma_start3A_725] : memref<1042x128xf32, #tpu.memory_space<vmem_shared>> -> memref<64x128xf32, #tpu.memory_space<vmem_shared>>
      %dma_start3A_727 = arith.constant 0 : i32
      %dma_start3A_728 = arith.constant 0 : i32
      %dma_start3A_729 = tpu.memref_slice %arg2[%add3A_1, %dma_start3A_727, %dma_start3A_728] : memref<512x512x128xf32, #tpu.memory_space<hbm>> -> memref<1x512x128xf32, #tpu.memory_space<hbm>>
      %dma_start3A_730 = tpu.memref_squeeze %dma_start3A_729 : memref<1x512x128xf32, #tpu.memory_space<hbm>> -> memref<512x128xf32, #tpu.memory_space<hbm>>
      %dma_start3A_731 = arith.constant 0 : i32
      %dma_start3A_732 = arith.constant 0 : i32
      %dma_start3A_733 = tpu.memref_slice %dma_start3A_730[%dma_start3A_731, %dma_start3A_732] : memref<512x128xf32, #tpu.memory_space<hbm>> -> memref<64x128xf32, #tpu.memory_space<hbm>>
      tpu.enqueue_dma source(%dma_start3A_733 : memref<64x128xf32, #tpu.memory_space<hbm>>) target(%dma_start3A_726 : memref<64x128xf32, #tpu.memory_space<vmem_shared>>) target_semaphore(%arg5 : memref<!tpu.dma_semaphore, #tpu.memory_space<semaphore_mem>>)
      %dma_start3A_734 = arith.constant 264 : i32
      %dma_start3A_735 = arith.constant 0 : i32
      %dma_start3A_736 = tpu.memref_slice %arg3[%dma_start3A_734, %dma_start3A_735] : memref<1042x128xf32, #tpu.memory_space<vmem_shared>> -> memref<64x128xf32, #tpu.memory_space<vmem_shared>>
      %dma_start3A_737 = arith.constant 0 : i32
      %dma_start3A_738 = arith.constant 0 : i32
      %dma_start3A_739 = tpu.memref_slice %arg2[%add3A_1, %dma_start3A_737, %dma_start3A_738] : memref<512x512x128xf32, #tpu.memory_space<hbm>> -> memref<1x512x128xf32, #tpu.memory_space<hbm>>
      %dma_start3A_740 = tpu.memref_squeeze %dma_start3A_739 : memref<1x512x128xf32, #tpu.memory_space<hbm>> -> memref<512x128xf32, #tpu.memory_space<hbm>>
      %dma_start3A_741 = arith.constant 0 : i32
      %dma_start3A_742 = arith.constant 0 : i32
      %dma_start3A_743 = tpu.memref_slice %dma_start3A_740[%dma_start3A_741, %dma_start3A_742] : memref<512x128xf32, #tpu.memory_space<hbm>> -> memref<64x128xf32, #tpu.memory_space<hbm>>
      tpu.enqueue_dma source(%dma_start3A_743 : memref<64x128xf32, #tpu.memory_space<hbm>>) target(%dma_start3A_736 : memref<64x128xf32, #tpu.memory_space<vmem_shared>>) target_semaphore(%arg5 : memref<!tpu.dma_semaphore, #tpu.memory_space<semaphore_mem>>)
      %dma_start3A_744 = arith.constant 328 : i32
      %dma_start3A_745 = arith.constant 0 : i32
      %dma_start3A_746 = tpu.memref_slice %arg3[%dma_start3A_744, %dma_start3A_745] : memref<1042x128xf32, #tpu.memory_space<vmem_shared>> -> memref<64x128xf32, #tpu.memory_space<vmem_shared>>
      %dma_start3A_747 = arith.constant 0 : i32
      %dma_start3A_748 = arith.constant 0 : i32
      %dma_start3A_749 = tpu.memref_slice %arg2[%add3A_1, %dma_start3A_747, %dma_start3A_748] : memref<512x512x128xf32, #tpu.memory_space<hbm>> -> memref<1x512x128xf32, #tpu.memory_space<hbm>>
      %dma_start3A_750 = tpu.memref_squeeze %dma_start3A_749 : memref<1x512x128xf32, #tpu.memory_space<hbm>> -> memref<512x128xf32, #tpu.memory_space<hbm>>
      %dma_start3A_751 = arith.constant 0 : i32
      %dma_start3A_752 = arith.constant 0 : i32
      %dma_start3A_753 = tpu.memref_slice %dma_start3A_750[%dma_start3A_751, %dma_start3A_752] : memref<512x128xf32, #tpu.memory_space<hbm>> -> memref<64x128xf32, #tpu.memory_space<hbm>>
      tpu.enqueue_dma source(%dma_start3A_753 : memref<64x128xf32, #tpu.memory_space<hbm>>) target(%dma_start3A_746 : memref<64x128xf32, #tpu.memory_space<vmem_shared>>) target_semaphore(%arg5 : memref<!tpu.dma_semaphore, #tpu.memory_space<semaphore_mem>>)
      %dma_start3A_754 = arith.constant 392 : i32
      %dma_start3A_755 = arith.constant 0 : i32
      %dma_start3A_756 = tpu.memref_slice %arg3[%dma_start3A_754, %dma_start3A_755] : memref<1042x128xf32, #tpu.memory_space<vmem_shared>> -> memref<64x128xf32, #tpu.memory_space<vmem_shared>>
      %dma_start3A_757 = arith.constant 0 : i32
      %dma_start3A_758 = arith.constant 0 : i32
      %dma_start3A_759 = tpu.memref_slice %arg2[%add3A_1, %dma_start3A_757, %dma_start3A_758] : memref<512x512x128xf32, #tpu.memory_space<hbm>> -> memref<1x512x128xf32, #tpu.memory_space<hbm>>
      %dma_start3A_760 = tpu.memref_squeeze %dma_start3A_759 : memref<1x512x128xf32, #tpu.memory_space<hbm>> -> memref<512x128xf32, #tpu.memory_space<hbm>>
      %dma_start3A_761 = arith.constant 0 : i32
      %dma_start3A_762 = arith.constant 0 : i32
      %dma_start3A_763 = tpu.memref_slice %dma_start3A_760[%dma_start3A_761, %dma_start3A_762] : memref<512x128xf32, #tpu.memory_space<hbm>> -> memref<64x128xf32, #tpu.memory_space<hbm>>
      tpu.enqueue_dma source(%dma_start3A_763 : memref<64x128xf32, #tpu.memory_space<hbm>>) target(%dma_start3A_756 : memref<64x128xf32, #tpu.memory_space<vmem_shared>>) target_semaphore(%arg5 : memref<!tpu.dma_semaphore, #tpu.memory_space<semaphore_mem>>)
      %dma_start3A_764 = arith.constant 456 : i32
      %dma_start3A_765 = arith.constant 0 : i32
      %dma_start3A_766 = tpu.memref_slice %arg3[%dma_start3A_764, %dma_start3A_765] : memref<1042x128xf32, #tpu.memory_space<vmem_shared>> -> memref<32x128xf32, #tpu.memory_space<vmem_shared>>
      %dma_start3A_767 = arith.constant 0 : i32
      %dma_start3A_768 = arith.constant 0 : i32
      %dma_start3A_769 = tpu.memref_slice %arg2[%add3A_1, %dma_start3A_767, %dma_start3A_768] : memref<512x512x128xf32, #tpu.memory_space<hbm>> -> memref<1x512x128xf32, #tpu.memory_space<hbm>>
      %dma_start3A_770 = tpu.memref_squeeze %dma_start3A_769 : memref<1x512x128xf32, #tpu.memory_space<hbm>> -> memref<512x128xf32, #tpu.memory_space<hbm>>
      %dma_start3A_771 = arith.constant 0 : i32
      %dma_start3A_772 = arith.constant 0 : i32
      %dma_start3A_773 = tpu.memref_slice %dma_start3A_770[%dma_start3A_771, %dma_start3A_772] : memref<512x128xf32, #tpu.memory_space<hbm>> -> memref<32x128xf32, #tpu.memory_space<hbm>>
      tpu.enqueue_dma source(%dma_start3A_773 : memref<32x128xf32, #tpu.memory_space<hbm>>) target(%dma_start3A_766 : memref<32x128xf32, #tpu.memory_space<vmem_shared>>) target_semaphore(%arg5 : memref<!tpu.dma_semaphore, #tpu.memory_space<semaphore_mem>>)
      %dma_start3A_774 = arith.constant 488 : i32
      %dma_start3A_775 = arith.constant 0 : i32
      %dma_start3A_776 = tpu.memref_slice %arg3[%dma_start3A_774, %dma_start3A_775] : memref<1042x128xf32, #tpu.memory_space<vmem_shared>> -> memref<8x128xf32, #tpu.memory_space<vmem_shared>>
      %dma_start3A_777 = arith.constant 0 : i32
      %dma_start3A_778 = arith.constant 0 : i32
      %dma_start3A_779 = tpu.memref_slice %arg3[%dma_start3A_777, %dma_start3A_778] : memref<1042x128xf32, #tpu.memory_space<vmem_shared>> -> memref<8x128xf32, #tpu.memory_space<vmem_shared>>
      tpu.enqueue_dma source(%dma_start3A_779 : memref<8x128xf32, #tpu.memory_space<vmem_shared>>) target(%dma_start3A_776 : memref<8x128xf32, #tpu.memory_space<vmem_shared>>) target_semaphore(%arg5 : memref<!tpu.dma_semaphore, #tpu.memory_space<semaphore_mem>>)
      %dma_start3A_780 = arith.constant 496 : i32
      %dma_start3A_781 = arith.constant 0 : i32
      %dma_start3A_782 = tpu.memref_slice %arg3[%dma_start3A_780, %dma_start3A_781] : memref<1042x128xf32, #tpu.memory_space<vmem_shared>> -> memref<5x128xf32, #tpu.memory_space<vmem_shared>>
      %dma_start3A_783 = arith.constant 0 : i32
      %dma_start3A_784 = arith.constant 0 : i32
      %dma_start3A_785 = tpu.memref_slice %arg3[%dma_start3A_783, %dma_start3A_784] : memref<1042x128xf32, #tpu.memory_space<vmem_shared>> -> memref<5x128xf32, #tpu.memory_space<vmem_shared>>
      tpu.enqueue_dma source(%dma_start3A_785 : memref<5x128xf32, #tpu.memory_space<vmem_shared>>) target(%dma_start3A_782 : memref<5x128xf32, #tpu.memory_space<vmem_shared>>) target_semaphore(%arg5 : memref<!tpu.dma_semaphore, #tpu.memory_space<semaphore_mem>>)
      %dma_wait3A_786 = arith.constant 8 : i32
      %dma_wait3A_787 = arith.constant 0 : i32
      %dma_wait3A_788 = tpu.memref_slice %arg3[%dma_wait3A_786, %dma_wait3A_787] : memref<1042x128xf32, #tpu.memory_space<vmem_shared>> -> memref<64x128xf32, #tpu.memory_space<vmem_shared>>
      %dma_wait3A_789 = arith.constant 0 : i32
      %dma_wait3A_790 = arith.constant 0 : i32
      %dma_wait3A_791 = tpu.memref_slice %arg2[%add3A_1, %dma_wait3A_789, %dma_wait3A_790] : memref<512x512x128xf32, #tpu.memory_space<hbm>> -> memref<1x512x128xf32, #tpu.memory_space<hbm>>
      %dma_wait3A_792 = tpu.memref_squeeze %dma_wait3A_791 : memref<1x512x128xf32, #tpu.memory_space<hbm>> -> memref<512x128xf32, #tpu.memory_space<hbm>>
      %dma_wait3A_793 = arith.constant 0 : i32
      %dma_wait3A_794 = arith.constant 0 : i32
      %dma_wait3A_795 = tpu.memref_slice %dma_wait3A_792[%dma_wait3A_793, %dma_wait3A_794] : memref<512x128xf32, #tpu.memory_space<hbm>> -> memref<64x128xf32, #tpu.memory_space<hbm>>
      tpu.wait_dma2 semaphore(%arg5 : memref<!tpu.dma_semaphore, #tpu.memory_space<semaphore_mem>>) src(%dma_wait3A_795 : memref<64x128xf32, #tpu.memory_space<hbm>>) dst(%dma_wait3A_788 : memref<64x128xf32, #tpu.memory_space<vmem_shared>>)
      %dma_wait3A_796 = arith.constant 72 : i32
      %dma_wait3A_797 = arith.constant 0 : i32
      %dma_wait3A_798 = tpu.memref_slice %arg3[%dma_wait3A_796, %dma_wait3A_797] : memref<1042x128xf32, #tpu.memory_space<vmem_shared>> -> memref<64x128xf32, #tpu.memory_space<vmem_shared>>
      %dma_wait3A_799 = arith.constant 0 : i32
      %dma_wait3A_800 = arith.constant 0 : i32
      %dma_wait3A_801 = tpu.memref_slice %arg2[%add3A_1, %dma_wait3A_799, %dma_wait3A_800] : memref<512x512x128xf32, #tpu.memory_space<hbm>> -> memref<1x512x128xf32, #tpu.memory_space<hbm>>
      %dma_wait3A_802 = tpu.memref_squeeze %dma_wait3A_801 : memref<1x512x128xf32, #tpu.memory_space<hbm>> -> memref<512x128xf32, #tpu.memory_space<hbm>>
      %dma_wait3A_803 = arith.constant 0 : i32
      %dma_wait3A_804 = arith.constant 0 : i32
      %dma_wait3A_805 = tpu.memref_slice %dma_wait3A_802[%dma_wait3A_803, %dma_wait3A_804] : memref<512x128xf32, #tpu.memory_space<hbm>> -> memref<64x128xf32, #tpu.memory_space<hbm>>
      tpu.wait_dma2 semaphore(%arg5 : memref<!tpu.dma_semaphore, #tpu.memory_space<semaphore_mem>>) src(%dma_wait3A_805 : memref<64x128xf32, #tpu.memory_space<hbm>>) dst(%dma_wait3A_798 : memref<64x128xf32, #tpu.memory_space<vmem_shared>>)
      %dma_wait3A_806 = arith.constant 136 : i32
      %dma_wait3A_807 = arith.constant 0 : i32
      %dma_wait3A_808 = tpu.memref_slice %arg3[%dma_wait3A_806, %dma_wait3A_807] : memref<1042x128xf32, #tpu.memory_space<vmem_shared>> -> memref<64x128xf32, #tpu.memory_space<vmem_shared>>
      %dma_wait3A_809 = arith.constant 0 : i32
      %dma_wait3A_810 = arith.constant 0 : i32
      %dma_wait3A_811 = tpu.memref_slice %arg2[%add3A_1, %dma_wait3A_809, %dma_wait3A_810] : memref<512x512x128xf32, #tpu.memory_space<hbm>> -> memref<1x512x128xf32, #tpu.memory_space<hbm>>
      %dma_wait3A_812 = tpu.memref_squeeze %dma_wait3A_811 : memref<1x512x128xf32, #tpu.memory_space<hbm>> -> memref<512x128xf32, #tpu.memory_space<hbm>>
      %dma_wait3A_813 = arith.constant 0 : i32
      %dma_wait3A_814 = arith.constant 0 : i32
      %dma_wait3A_815 = tpu.memref_slice %dma_wait3A_812[%dma_wait3A_813, %dma_wait3A_814] : memref<512x128xf32, #tpu.memory_space<hbm>> -> memref<64x128xf32, #tpu.memory_space<hbm>>
      tpu.wait_dma2 semaphore(%arg5 : memref<!tpu.dma_semaphore, #tpu.memory_space<semaphore_mem>>) src(%dma_wait3A_815 : memref<64x128xf32, #tpu.memory_space<hbm>>) dst(%dma_wait3A_808 : memref<64x128xf32, #tpu.memory_space<vmem_shared>>)
      %dma_wait3A_816 = arith.constant 200 : i32
      %dma_wait3A_817 = arith.constant 0 : i32
      %dma_wait3A_818 = tpu.memref_slice %arg3[%dma_wait3A_816, %dma_wait3A_817] : memref<1042x128xf32, #tpu.memory_space<vmem_shared>> -> memref<64x128xf32, #tpu.memory_space<vmem_shared>>
      %dma_wait3A_819 = arith.constant 0 : i32
      %dma_wait3A_820 = arith.constant 0 : i32
      %dma_wait3A_821 = tpu.memref_slice %arg2[%add3A_1, %dma_wait3A_819, %dma_wait3A_820] : memref<512x512x128xf32, #tpu.memory_space<hbm>> -> memref<1x512x128xf32, #tpu.memory_space<hbm>>
      %dma_wait3A_822 = tpu.memref_squeeze %dma_wait3A_821 : memref<1x512x128xf32, #tpu.memory_space<hbm>> -> memref<512x128xf32, #tpu.memory_space<hbm>>
      %dma_wait3A_823 = arith.constant 0 : i32
      %dma_wait3A_824 = arith.constant 0 : i32
      %dma_wait3A_825 = tpu.memref_slice %dma_wait3A_822[%dma_wait3A_823, %dma_wait3A_824] : memref<512x128xf32, #tpu.memory_space<hbm>> -> memref<64x128xf32, #tpu.memory_space<hbm>>
      tpu.wait_dma2 semaphore(%arg5 : memref<!tpu.dma_semaphore, #tpu.memory_space<semaphore_mem>>) src(%dma_wait3A_825 : memref<64x128xf32, #tpu.memory_space<hbm>>) dst(%dma_wait3A_818 : memref<64x128xf32, #tpu.memory_space<vmem_shared>>)
      %dma_wait3A_826 = arith.constant 264 : i32
      %dma_wait3A_827 = arith.constant 0 : i32
      %dma_wait3A_828 = tpu.memref_slice %arg3[%dma_wait3A_826, %dma_wait3A_827] : memref<1042x128xf32, #tpu.memory_space<vmem_shared>> -> memref<64x128xf32, #tpu.memory_space<vmem_shared>>
      %dma_wait3A_829 = arith.constant 0 : i32
      %dma_wait3A_830 = arith.constant 0 : i32
      %dma_wait3A_831 = tpu.memref_slice %arg2[%add3A_1, %dma_wait3A_829, %dma_wait3A_830] : memref<512x512x128xf32, #tpu.memory_space<hbm>> -> memref<1x512x128xf32, #tpu.memory_space<hbm>>
      %dma_wait3A_832 = tpu.memref_squeeze %dma_wait3A_831 : memref<1x512x128xf32, #tpu.memory_space<hbm>> -> memref<512x128xf32, #tpu.memory_space<hbm>>
      %dma_wait3A_833 = arith.constant 0 : i32
      %dma_wait3A_834 = arith.constant 0 : i32
      %dma_wait3A_835 = tpu.memref_slice %dma_wait3A_832[%dma_wait3A_833, %dma_wait3A_834] : memref<512x128xf32, #tpu.memory_space<hbm>> -> memref<64x128xf32, #tpu.memory_space<hbm>>
      tpu.wait_dma2 semaphore(%arg5 : memref<!tpu.dma_semaphore, #tpu.memory_space<semaphore_mem>>) src(%dma_wait3A_835 : memref<64x128xf32, #tpu.memory_space<hbm>>) dst(%dma_wait3A_828 : memref<64x128xf32, #tpu.memory_space<vmem_shared>>)
      %dma_wait3A_836 = arith.constant 328 : i32
      %dma_wait3A_837 = arith.constant 0 : i32
      %dma_wait3A_838 = tpu.memref_slice %arg3[%dma_wait3A_836, %dma_wait3A_837] : memref<1042x128xf32, #tpu.memory_space<vmem_shared>> -> memref<64x128xf32, #tpu.memory_space<vmem_shared>>
      %dma_wait3A_839 = arith.constant 0 : i32
      %dma_wait3A_840 = arith.constant 0 : i32
      %dma_wait3A_841 = tpu.memref_slice %arg2[%add3A_1, %dma_wait3A_839, %dma_wait3A_840] : memref<512x512x128xf32, #tpu.memory_space<hbm>> -> memref<1x512x128xf32, #tpu.memory_space<hbm>>
      %dma_wait3A_842 = tpu.memref_squeeze %dma_wait3A_841 : memref<1x512x128xf32, #tpu.memory_space<hbm>> -> memref<512x128xf32, #tpu.memory_space<hbm>>
      %dma_wait3A_843 = arith.constant 0 : i32
      %dma_wait3A_844 = arith.constant 0 : i32
      %dma_wait3A_845 = tpu.memref_slice %dma_wait3A_842[%dma_wait3A_843, %dma_wait3A_844] : memref<512x128xf32, #tpu.memory_space<hbm>> -> memref<64x128xf32, #tpu.memory_space<hbm>>
      tpu.wait_dma2 semaphore(%arg5 : memref<!tpu.dma_semaphore, #tpu.memory_space<semaphore_mem>>) src(%dma_wait3A_845 : memref<64x128xf32, #tpu.memory_space<hbm>>) dst(%dma_wait3A_838 : memref<64x128xf32, #tpu.memory_space<vmem_shared>>)
      %dma_wait3A_846 = arith.constant 392 : i32
      %dma_wait3A_847 = arith.constant 0 : i32
      %dma_wait3A_848 = tpu.memref_slice %arg3[%dma_wait3A_846, %dma_wait3A_847] : memref<1042x128xf32, #tpu.memory_space<vmem_shared>> -> memref<64x128xf32, #tpu.memory_space<vmem_shared>>
      %dma_wait3A_849 = arith.constant 0 : i32
      %dma_wait3A_850 = arith.constant 0 : i32
      %dma_wait3A_851 = tpu.memref_slice %arg2[%add3A_1, %dma_wait3A_849, %dma_wait3A_850] : memref<512x512x128xf32, #tpu.memory_space<hbm>> -> memref<1x512x128xf32, #tpu.memory_space<hbm>>
      %dma_wait3A_852 = tpu.memref_squeeze %dma_wait3A_851 : memref<1x512x128xf32, #tpu.memory_space<hbm>> -> memref<512x128xf32, #tpu.memory_space<hbm>>
      %dma_wait3A_853 = arith.constant 0 : i32
      %dma_wait3A_854 = arith.constant 0 : i32
      %dma_wait3A_855 = tpu.memref_slice %dma_wait3A_852[%dma_wait3A_853, %dma_wait3A_854] : memref<512x128xf32, #tpu.memory_space<hbm>> -> memref<64x128xf32, #tpu.memory_space<hbm>>
      tpu.wait_dma2 semaphore(%arg5 : memref<!tpu.dma_semaphore, #tpu.memory_space<semaphore_mem>>) src(%dma_wait3A_855 : memref<64x128xf32, #tpu.memory_space<hbm>>) dst(%dma_wait3A_848 : memref<64x128xf32, #tpu.memory_space<vmem_shared>>)
      %dma_wait3A_856 = arith.constant 456 : i32
      %dma_wait3A_857 = arith.constant 0 : i32
      %dma_wait3A_858 = tpu.memref_slice %arg3[%dma_wait3A_856, %dma_wait3A_857] : memref<1042x128xf32, #tpu.memory_space<vmem_shared>> -> memref<32x128xf32, #tpu.memory_space<vmem_shared>>
      %dma_wait3A_859 = arith.constant 0 : i32
      %dma_wait3A_860 = arith.constant 0 : i32
      %dma_wait3A_861 = tpu.memref_slice %arg2[%add3A_1, %dma_wait3A_859, %dma_wait3A_860] : memref<512x512x128xf32, #tpu.memory_space<hbm>> -> memref<1x512x128xf32, #tpu.memory_space<hbm>>
      %dma_wait3A_862 = tpu.memref_squeeze %dma_wait3A_861 : memref<1x512x128xf32, #tpu.memory_space<hbm>> -> memref<512x128xf32, #tpu.memory_space<hbm>>
      %dma_wait3A_863 = arith.constant 0 : i32
      %dma_wait3A_864 = arith.constant 0 : i32
      %dma_wait3A_865 = tpu.memref_slice %dma_wait3A_862[%dma_wait3A_863, %dma_wait3A_864] : memref<512x128xf32, #tpu.memory_space<hbm>> -> memref<32x128xf32, #tpu.memory_space<hbm>>
      tpu.wait_dma2 semaphore(%arg5 : memref<!tpu.dma_semaphore, #tpu.memory_space<semaphore_mem>>) src(%dma_wait3A_865 : memref<32x128xf32, #tpu.memory_space<hbm>>) dst(%dma_wait3A_858 : memref<32x128xf32, #tpu.memory_space<vmem_shared>>)
      %dma_wait3A_866 = arith.constant 488 : i32
      %dma_wait3A_867 = arith.constant 0 : i32
      %dma_wait3A_868 = tpu.memref_slice %arg3[%dma_wait3A_866, %dma_wait3A_867] : memref<1042x128xf32, #tpu.memory_space<vmem_shared>> -> memref<8x128xf32, #tpu.memory_space<vmem_shared>>
      %dma_wait3A_869 = arith.constant 0 : i32
      %dma_wait3A_870 = arith.constant 0 : i32
      %dma_wait3A_871 = tpu.memref_slice %arg3[%dma_wait3A_869, %dma_wait3A_870] : memref<1042x128xf32, #tpu.memory_space<vmem_shared>> -> memref<8x128xf32, #tpu.memory_space<vmem_shared>>
      tpu.wait_dma2 semaphore(%arg5 : memref<!tpu.dma_semaphore, #tpu.memory_space<semaphore_mem>>) src(%dma_wait3A_871 : memref<8x128xf32, #tpu.memory_space<vmem_shared>>) dst(%dma_wait3A_868 : memref<8x128xf32, #tpu.memory_space<vmem_shared>>)
      %dma_wait3A_872 = arith.constant 496 : i32
      %dma_wait3A_873 = arith.constant 0 : i32
      %dma_wait3A_874 = tpu.memref_slice %arg3[%dma_wait3A_872, %dma_wait3A_873] : memref<1042x128xf32, #tpu.memory_space<vmem_shared>> -> memref<5x128xf32, #tpu.memory_space<vmem_shared>>
      %dma_wait3A_875 = arith.constant 0 : i32
      %dma_wait3A_876 = arith.constant 0 : i32
      %dma_wait3A_877 = tpu.memref_slice %arg3[%dma_wait3A_875, %dma_wait3A_876] : memref<1042x128xf32, #tpu.memory_space<vmem_shared>> -> memref<5x128xf32, #tpu.memory_space<vmem_shared>>
      tpu.wait_dma2 semaphore(%arg5 : memref<!tpu.dma_semaphore, #tpu.memory_space<semaphore_mem>>) src(%dma_wait3A_877 : memref<5x128xf32, #tpu.memory_space<vmem_shared>>) dst(%dma_wait3A_874 : memref<5x128xf32, #tpu.memory_space<vmem_shared>>)
      %scan3A_878 = arith.constant 0 : i32
      %scan3A_879 = arith.constant 11 : i32
      %scan3A_880 = arith.constant 245 : i32
      %scan3A_881 = arith.addi %scan3A_879, %scan3A_880 : i32
      %scan3A_882 = arith.constant 1 : i32
      scf.for %scan3A_884 = %scan3A_879 to %scan3A_881 step %scan3A_882  : i32 {
        %add3A_885 = arith.addi %mul3A_0, %scan3A_884 : i32
        %sub3A = arith.constant 511 : i32
        %sub3A_886 = arith.subi %sub3A, %add3A_885 : i32
        %dma_start3A_887 = arith.constant 0 : i32
        %dma_start3A_888 = arith.constant 0 : i32
        %dma_start3A_889 = tpu.memref_slice %arg2[%add3A_885, %dma_start3A_887, %dma_start3A_888] : memref<512x512x128xf32, #tpu.memory_space<hbm>> -> memref<1x512x128xf32, #tpu.memory_space<hbm>>
        %dma_start3A_890 = tpu.memref_squeeze %dma_start3A_889 : memref<1x512x128xf32, #tpu.memory_space<hbm>> -> memref<512x128xf32, #tpu.memory_space<hbm>>
        %dma_start3A_891 = arith.constant 0 : i32
        %dma_start3A_892 = tpu.memref_slice %arg3[%sub3A_886, %dma_start3A_891] : memref<1042x128xf32, #tpu.memory_space<vmem_shared>> -> memref<512x128xf32, #tpu.memory_space<vmem_shared>>
        tpu.enqueue_dma source(%dma_start3A_892 : memref<512x128xf32, #tpu.memory_space<vmem_shared>>) target(%dma_start3A_890 : memref<512x128xf32, #tpu.memory_space<hbm>>) target_semaphore(%arg4 : memref<!tpu.dma_semaphore, #tpu.memory_space<semaphore_mem>>)
      }
      %scan3A_883 = arith.constant 245 : i32
    } else {
    }
    %eq3A_518 = arith.constant 1 : i32
    %eq3A_519 = arith.cmpi eq, %arg0, %eq3A_518 : i32
    %convert_element_type3A_520 = arith.extui %eq3A_519 : i1 to i32
    %cond3A_521 = arith.constant 0 : i32
    %cond3A_522 = arith.cmpi ne, %convert_element_type3A_520, %cond3A_521 : i32
    scf.if %cond3A_522 {
      %dma_start3A_528 = arith.constant 8 : i32
      %dma_start3A_529 = arith.constant 0 : i32
      %dma_start3A_530 = tpu.memref_slice %arg3[%dma_start3A_528, %dma_start3A_529] : memref<1042x128xf32, #tpu.memory_space<vmem_shared>> -> memref<64x128xf32, #tpu.memory_space<vmem_shared>>
      %dma_start3A_531 = arith.constant 0 : i32
      %dma_start3A_532 = arith.constant 0 : i32
      %dma_start3A_533 = tpu.memref_slice %arg2[%add3A_1, %dma_start3A_531, %dma_start3A_532] : memref<512x512x128xf32, #tpu.memory_space<hbm>> -> memref<1x512x128xf32, #tpu.memory_space<hbm>>
      %dma_start3A_534 = tpu.memref_squeeze %dma_start3A_533 : memref<1x512x128xf32, #tpu.memory_space<hbm>> -> memref<512x128xf32, #tpu.memory_space<hbm>>
      %dma_start3A_535 = arith.constant 0 : i32
      %dma_start3A_536 = arith.constant 0 : i32
      %dma_start3A_537 = tpu.memref_slice %dma_start3A_534[%dma_start3A_535, %dma_start3A_536] : memref<512x128xf32, #tpu.memory_space<hbm>> -> memref<64x128xf32, #tpu.memory_space<hbm>>
      tpu.enqueue_dma source(%dma_start3A_537 : memref<64x128xf32, #tpu.memory_space<hbm>>) target(%dma_start3A_530 : memref<64x128xf32, #tpu.memory_space<vmem_shared>>) target_semaphore(%arg5 : memref<!tpu.dma_semaphore, #tpu.memory_space<semaphore_mem>>)
      %dma_start3A_538 = arith.constant 72 : i32
      %dma_start3A_539 = arith.constant 0 : i32
      %dma_start3A_540 = tpu.memref_slice %arg3[%dma_start3A_538, %dma_start3A_539] : memref<1042x128xf32, #tpu.memory_space<vmem_shared>> -> memref<64x128xf32, #tpu.memory_space<vmem_shared>>
      %dma_start3A_541 = arith.constant 0 : i32
      %dma_start3A_542 = arith.constant 0 : i32
      %dma_start3A_543 = tpu.memref_slice %arg2[%add3A_1, %dma_start3A_541, %dma_start3A_542] : memref<512x512x128xf32, #tpu.memory_space<hbm>> -> memref<1x512x128xf32, #tpu.memory_space<hbm>>
      %dma_start3A_544 = tpu.memref_squeeze %dma_start3A_543 : memref<1x512x128xf32, #tpu.memory_space<hbm>> -> memref<512x128xf32, #tpu.memory_space<hbm>>
      %dma_start3A_545 = arith.constant 0 : i32
      %dma_start3A_546 = arith.constant 0 : i32
      %dma_start3A_547 = tpu.memref_slice %dma_start3A_544[%dma_start3A_545, %dma_start3A_546] : memref<512x128xf32, #tpu.memory_space<hbm>> -> memref<64x128xf32, #tpu.memory_space<hbm>>
      tpu.enqueue_dma source(%dma_start3A_547 : memref<64x128xf32, #tpu.memory_space<hbm>>) target(%dma_start3A_540 : memref<64x128xf32, #tpu.memory_space<vmem_shared>>) target_semaphore(%arg5 : memref<!tpu.dma_semaphore, #tpu.memory_space<semaphore_mem>>)
      %dma_start3A_548 = arith.constant 136 : i32
      %dma_start3A_549 = arith.constant 0 : i32
      %dma_start3A_550 = tpu.memref_slice %arg3[%dma_start3A_548, %dma_start3A_549] : memref<1042x128xf32, #tpu.memory_space<vmem_shared>> -> memref<64x128xf32, #tpu.memory_space<vmem_shared>>
      %dma_start3A_551 = arith.constant 0 : i32
      %dma_start3A_552 = arith.constant 0 : i32
      %dma_start3A_553 = tpu.memref_slice %arg2[%add3A_1, %dma_start3A_551, %dma_start3A_552] : memref<512x512x128xf32, #tpu.memory_space<hbm>> -> memref<1x512x128xf32, #tpu.memory_space<hbm>>
      %dma_start3A_554 = tpu.memref_squeeze %dma_start3A_553 : memref<1x512x128xf32, #tpu.memory_space<hbm>> -> memref<512x128xf32, #tpu.memory_space<hbm>>
      %dma_start3A_555 = arith.constant 0 : i32
      %dma_start3A_556 = arith.constant 0 : i32
      %dma_start3A_557 = tpu.memref_slice %dma_start3A_554[%dma_start3A_555, %dma_start3A_556] : memref<512x128xf32, #tpu.memory_space<hbm>> -> memref<64x128xf32, #tpu.memory_space<hbm>>
      tpu.enqueue_dma source(%dma_start3A_557 : memref<64x128xf32, #tpu.memory_space<hbm>>) target(%dma_start3A_550 : memref<64x128xf32, #tpu.memory_space<vmem_shared>>) target_semaphore(%arg5 : memref<!tpu.dma_semaphore, #tpu.memory_space<semaphore_mem>>)
      %dma_start3A_558 = arith.constant 200 : i32
      %dma_start3A_559 = arith.constant 0 : i32
      %dma_start3A_560 = tpu.memref_slice %arg3[%dma_start3A_558, %dma_start3A_559] : memref<1042x128xf32, #tpu.memory_space<vmem_shared>> -> memref<64x128xf32, #tpu.memory_space<vmem_shared>>
      %dma_start3A_561 = arith.constant 0 : i32
      %dma_start3A_562 = arith.constant 0 : i32
      %dma_start3A_563 = tpu.memref_slice %arg2[%add3A_1, %dma_start3A_561, %dma_start3A_562] : memref<512x512x128xf32, #tpu.memory_space<hbm>> -> memref<1x512x128xf32, #tpu.memory_space<hbm>>
      %dma_start3A_564 = tpu.memref_squeeze %dma_start3A_563 : memref<1x512x128xf32, #tpu.memory_space<hbm>> -> memref<512x128xf32, #tpu.memory_space<hbm>>
      %dma_start3A_565 = arith.constant 0 : i32
      %dma_start3A_566 = arith.constant 0 : i32
      %dma_start3A_567 = tpu.memref_slice %dma_start3A_564[%dma_start3A_565, %dma_start3A_566] : memref<512x128xf32, #tpu.memory_space<hbm>> -> memref<64x128xf32, #tpu.memory_space<hbm>>
      tpu.enqueue_dma source(%dma_start3A_567 : memref<64x128xf32, #tpu.memory_space<hbm>>) target(%dma_start3A_560 : memref<64x128xf32, #tpu.memory_space<vmem_shared>>) target_semaphore(%arg5 : memref<!tpu.dma_semaphore, #tpu.memory_space<semaphore_mem>>)
      %dma_start3A_568 = arith.constant 264 : i32
      %dma_start3A_569 = arith.constant 0 : i32
      %dma_start3A_570 = tpu.memref_slice %arg3[%dma_start3A_568, %dma_start3A_569] : memref<1042x128xf32, #tpu.memory_space<vmem_shared>> -> memref<64x128xf32, #tpu.memory_space<vmem_shared>>
      %dma_start3A_571 = arith.constant 0 : i32
      %dma_start3A_572 = arith.constant 0 : i32
      %dma_start3A_573 = tpu.memref_slice %arg2[%add3A_1, %dma_start3A_571, %dma_start3A_572] : memref<512x512x128xf32, #tpu.memory_space<hbm>> -> memref<1x512x128xf32, #tpu.memory_space<hbm>>
      %dma_start3A_574 = tpu.memref_squeeze %dma_start3A_573 : memref<1x512x128xf32, #tpu.memory_space<hbm>> -> memref<512x128xf32, #tpu.memory_space<hbm>>
      %dma_start3A_575 = arith.constant 0 : i32
      %dma_start3A_576 = arith.constant 0 : i32
      %dma_start3A_577 = tpu.memref_slice %dma_start3A_574[%dma_start3A_575, %dma_start3A_576] : memref<512x128xf32, #tpu.memory_space<hbm>> -> memref<64x128xf32, #tpu.memory_space<hbm>>
      tpu.enqueue_dma source(%dma_start3A_577 : memref<64x128xf32, #tpu.memory_space<hbm>>) target(%dma_start3A_570 : memref<64x128xf32, #tpu.memory_space<vmem_shared>>) target_semaphore(%arg5 : memref<!tpu.dma_semaphore, #tpu.memory_space<semaphore_mem>>)
      %dma_start3A_578 = arith.constant 328 : i32
      %dma_start3A_579 = arith.constant 0 : i32
      %dma_start3A_580 = tpu.memref_slice %arg3[%dma_start3A_578, %dma_start3A_579] : memref<1042x128xf32, #tpu.memory_space<vmem_shared>> -> memref<64x128xf32, #tpu.memory_space<vmem_shared>>
      %dma_start3A_581 = arith.constant 0 : i32
      %dma_start3A_582 = arith.constant 0 : i32
      %dma_start3A_583 = tpu.memref_slice %arg2[%add3A_1, %dma_start3A_581, %dma_start3A_582] : memref<512x512x128xf32, #tpu.memory_space<hbm>> -> memref<1x512x128xf32, #tpu.memory_space<hbm>>
      %dma_start3A_584 = tpu.memref_squeeze %dma_start3A_583 : memref<1x512x128xf32, #tpu.memory_space<hbm>> -> memref<512x128xf32, #tpu.memory_space<hbm>>
      %dma_start3A_585 = arith.constant 0 : i32
      %dma_start3A_586 = arith.constant 0 : i32
      %dma_start3A_587 = tpu.memref_slice %dma_start3A_584[%dma_start3A_585, %dma_start3A_586] : memref<512x128xf32, #tpu.memory_space<hbm>> -> memref<64x128xf32, #tpu.memory_space<hbm>>
      tpu.enqueue_dma source(%dma_start3A_587 : memref<64x128xf32, #tpu.memory_space<hbm>>) target(%dma_start3A_580 : memref<64x128xf32, #tpu.memory_space<vmem_shared>>) target_semaphore(%arg5 : memref<!tpu.dma_semaphore, #tpu.memory_space<semaphore_mem>>)
      %dma_start3A_588 = arith.constant 392 : i32
      %dma_start3A_589 = arith.constant 0 : i32
      %dma_start3A_590 = tpu.memref_slice %arg3[%dma_start3A_588, %dma_start3A_589] : memref<1042x128xf32, #tpu.memory_space<vmem_shared>> -> memref<64x128xf32, #tpu.memory_space<vmem_shared>>
      %dma_start3A_591 = arith.constant 0 : i32
      %dma_start3A_592 = arith.constant 0 : i32
      %dma_start3A_593 = tpu.memref_slice %arg2[%add3A_1, %dma_start3A_591, %dma_start3A_592] : memref<512x512x128xf32, #tpu.memory_space<hbm>> -> memref<1x512x128xf32, #tpu.memory_space<hbm>>
      %dma_start3A_594 = tpu.memref_squeeze %dma_start3A_593 : memref<1x512x128xf32, #tpu.memory_space<hbm>> -> memref<512x128xf32, #tpu.memory_space<hbm>>
      %dma_start3A_595 = arith.constant 0 : i32
      %dma_start3A_596 = arith.constant 0 : i32
      %dma_start3A_597 = tpu.memref_slice %dma_start3A_594[%dma_start3A_595, %dma_start3A_596] : memref<512x128xf32, #tpu.memory_space<hbm>> -> memref<64x128xf32, #tpu.memory_space<hbm>>
      tpu.enqueue_dma source(%dma_start3A_597 : memref<64x128xf32, #tpu.memory_space<hbm>>) target(%dma_start3A_590 : memref<64x128xf32, #tpu.memory_space<vmem_shared>>) target_semaphore(%arg5 : memref<!tpu.dma_semaphore, #tpu.memory_space<semaphore_mem>>)
      %dma_start3A_598 = arith.constant 456 : i32
      %dma_start3A_599 = arith.constant 0 : i32
      %dma_start3A_600 = tpu.memref_slice %arg3[%dma_start3A_598, %dma_start3A_599] : memref<1042x128xf32, #tpu.memory_space<vmem_shared>> -> memref<32x128xf32, #tpu.memory_space<vmem_shared>>
      %dma_start3A_601 = arith.constant 0 : i32
      %dma_start3A_602 = arith.constant 0 : i32
      %dma_start3A_603 = tpu.memref_slice %arg2[%add3A_1, %dma_start3A_601, %dma_start3A_602] : memref<512x512x128xf32, #tpu.memory_space<hbm>> -> memref<1x512x128xf32, #tpu.memory_space<hbm>>
      %dma_start3A_604 = tpu.memref_squeeze %dma_start3A_603 : memref<1x512x128xf32, #tpu.memory_space<hbm>> -> memref<512x128xf32, #tpu.memory_space<hbm>>
      %dma_start3A_605 = arith.constant 0 : i32
      %dma_start3A_606 = arith.constant 0 : i32
      %dma_start3A_607 = tpu.memref_slice %dma_start3A_604[%dma_start3A_605, %dma_start3A_606] : memref<512x128xf32, #tpu.memory_space<hbm>> -> memref<32x128xf32, #tpu.memory_space<hbm>>
      tpu.enqueue_dma source(%dma_start3A_607 : memref<32x128xf32, #tpu.memory_space<hbm>>) target(%dma_start3A_600 : memref<32x128xf32, #tpu.memory_space<vmem_shared>>) target_semaphore(%arg5 : memref<!tpu.dma_semaphore, #tpu.memory_space<semaphore_mem>>)
      %dma_start3A_608 = arith.constant 488 : i32
      %dma_start3A_609 = arith.constant 0 : i32
      %dma_start3A_610 = tpu.memref_slice %arg3[%dma_start3A_608, %dma_start3A_609] : memref<1042x128xf32, #tpu.memory_space<vmem_shared>> -> memref<8x128xf32, #tpu.memory_space<vmem_shared>>
      %dma_start3A_611 = arith.constant 0 : i32
      %dma_start3A_612 = arith.constant 0 : i32
      %dma_start3A_613 = tpu.memref_slice %arg3[%dma_start3A_611, %dma_start3A_612] : memref<1042x128xf32, #tpu.memory_space<vmem_shared>> -> memref<8x128xf32, #tpu.memory_space<vmem_shared>>
      tpu.enqueue_dma source(%dma_start3A_613 : memref<8x128xf32, #tpu.memory_space<vmem_shared>>) target(%dma_start3A_610 : memref<8x128xf32, #tpu.memory_space<vmem_shared>>) target_semaphore(%arg5 : memref<!tpu.dma_semaphore, #tpu.memory_space<semaphore_mem>>)
      %dma_start3A_614 = arith.constant 496 : i32
      %dma_start3A_615 = arith.constant 0 : i32
      %dma_start3A_616 = tpu.memref_slice %arg3[%dma_start3A_614, %dma_start3A_615] : memref<1042x128xf32, #tpu.memory_space<vmem_shared>> -> memref<5x128xf32, #tpu.memory_space<vmem_shared>>
      %dma_start3A_617 = arith.constant 0 : i32
      %dma_start3A_618 = arith.constant 0 : i32
      %dma_start3A_619 = tpu.memref_slice %arg3[%dma_start3A_617, %dma_start3A_618] : memref<1042x128xf32, #tpu.memory_space<vmem_shared>> -> memref<5x128xf32, #tpu.memory_space<vmem_shared>>
      tpu.enqueue_dma source(%dma_start3A_619 : memref<5x128xf32, #tpu.memory_space<vmem_shared>>) target(%dma_start3A_616 : memref<5x128xf32, #tpu.memory_space<vmem_shared>>) target_semaphore(%arg5 : memref<!tpu.dma_semaphore, #tpu.memory_space<semaphore_mem>>)
      %dma_wait3A_620 = arith.constant 8 : i32
      %dma_wait3A_621 = arith.constant 0 : i32
      %dma_wait3A_622 = tpu.memref_slice %arg3[%dma_wait3A_620, %dma_wait3A_621] : memref<1042x128xf32, #tpu.memory_space<vmem_shared>> -> memref<64x128xf32, #tpu.memory_space<vmem_shared>>
      %dma_wait3A_623 = arith.constant 0 : i32
      %dma_wait3A_624 = arith.constant 0 : i32
      %dma_wait3A_625 = tpu.memref_slice %arg2[%add3A_1, %dma_wait3A_623, %dma_wait3A_624] : memref<512x512x128xf32, #tpu.memory_space<hbm>> -> memref<1x512x128xf32, #tpu.memory_space<hbm>>
      %dma_wait3A_626 = tpu.memref_squeeze %dma_wait3A_625 : memref<1x512x128xf32, #tpu.memory_space<hbm>> -> memref<512x128xf32, #tpu.memory_space<hbm>>
      %dma_wait3A_627 = arith.constant 0 : i32
      %dma_wait3A_628 = arith.constant 0 : i32
      %dma_wait3A_629 = tpu.memref_slice %dma_wait3A_626[%dma_wait3A_627, %dma_wait3A_628] : memref<512x128xf32, #tpu.memory_space<hbm>> -> memref<64x128xf32, #tpu.memory_space<hbm>>
      tpu.wait_dma2 semaphore(%arg5 : memref<!tpu.dma_semaphore, #tpu.memory_space<semaphore_mem>>) src(%dma_wait3A_629 : memref<64x128xf32, #tpu.memory_space<hbm>>) dst(%dma_wait3A_622 : memref<64x128xf32, #tpu.memory_space<vmem_shared>>)
      %dma_wait3A_630 = arith.constant 72 : i32
      %dma_wait3A_631 = arith.constant 0 : i32
      %dma_wait3A_632 = tpu.memref_slice %arg3[%dma_wait3A_630, %dma_wait3A_631] : memref<1042x128xf32, #tpu.memory_space<vmem_shared>> -> memref<64x128xf32, #tpu.memory_space<vmem_shared>>
      %dma_wait3A_633 = arith.constant 0 : i32
      %dma_wait3A_634 = arith.constant 0 : i32
      %dma_wait3A_635 = tpu.memref_slice %arg2[%add3A_1, %dma_wait3A_633, %dma_wait3A_634] : memref<512x512x128xf32, #tpu.memory_space<hbm>> -> memref<1x512x128xf32, #tpu.memory_space<hbm>>
      %dma_wait3A_636 = tpu.memref_squeeze %dma_wait3A_635 : memref<1x512x128xf32, #tpu.memory_space<hbm>> -> memref<512x128xf32, #tpu.memory_space<hbm>>
      %dma_wait3A_637 = arith.constant 0 : i32
      %dma_wait3A_638 = arith.constant 0 : i32
      %dma_wait3A_639 = tpu.memref_slice %dma_wait3A_636[%dma_wait3A_637, %dma_wait3A_638] : memref<512x128xf32, #tpu.memory_space<hbm>> -> memref<64x128xf32, #tpu.memory_space<hbm>>
      tpu.wait_dma2 semaphore(%arg5 : memref<!tpu.dma_semaphore, #tpu.memory_space<semaphore_mem>>) src(%dma_wait3A_639 : memref<64x128xf32, #tpu.memory_space<hbm>>) dst(%dma_wait3A_632 : memref<64x128xf32, #tpu.memory_space<vmem_shared>>)
      %dma_wait3A_640 = arith.constant 136 : i32
      %dma_wait3A_641 = arith.constant 0 : i32
      %dma_wait3A_642 = tpu.memref_slice %arg3[%dma_wait3A_640, %dma_wait3A_641] : memref<1042x128xf32, #tpu.memory_space<vmem_shared>> -> memref<64x128xf32, #tpu.memory_space<vmem_shared>>
      %dma_wait3A_643 = arith.constant 0 : i32
      %dma_wait3A_644 = arith.constant 0 : i32
      %dma_wait3A_645 = tpu.memref_slice %arg2[%add3A_1, %dma_wait3A_643, %dma_wait3A_644] : memref<512x512x128xf32, #tpu.memory_space<hbm>> -> memref<1x512x128xf32, #tpu.memory_space<hbm>>
      %dma_wait3A_646 = tpu.memref_squeeze %dma_wait3A_645 : memref<1x512x128xf32, #tpu.memory_space<hbm>> -> memref<512x128xf32, #tpu.memory_space<hbm>>
      %dma_wait3A_647 = arith.constant 0 : i32
      %dma_wait3A_648 = arith.constant 0 : i32
      %dma_wait3A_649 = tpu.memref_slice %dma_wait3A_646[%dma_wait3A_647, %dma_wait3A_648] : memref<512x128xf32, #tpu.memory_space<hbm>> -> memref<64x128xf32, #tpu.memory_space<hbm>>
      tpu.wait_dma2 semaphore(%arg5 : memref<!tpu.dma_semaphore, #tpu.memory_space<semaphore_mem>>) src(%dma_wait3A_649 : memref<64x128xf32, #tpu.memory_space<hbm>>) dst(%dma_wait3A_642 : memref<64x128xf32, #tpu.memory_space<vmem_shared>>)
      %dma_wait3A_650 = arith.constant 200 : i32
      %dma_wait3A_651 = arith.constant 0 : i32
      %dma_wait3A_652 = tpu.memref_slice %arg3[%dma_wait3A_650, %dma_wait3A_651] : memref<1042x128xf32, #tpu.memory_space<vmem_shared>> -> memref<64x128xf32, #tpu.memory_space<vmem_shared>>
      %dma_wait3A_653 = arith.constant 0 : i32
      %dma_wait3A_654 = arith.constant 0 : i32
      %dma_wait3A_655 = tpu.memref_slice %arg2[%add3A_1, %dma_wait3A_653, %dma_wait3A_654] : memref<512x512x128xf32, #tpu.memory_space<hbm>> -> memref<1x512x128xf32, #tpu.memory_space<hbm>>
      %dma_wait3A_656 = tpu.memref_squeeze %dma_wait3A_655 : memref<1x512x128xf32, #tpu.memory_space<hbm>> -> memref<512x128xf32, #tpu.memory_space<hbm>>
      %dma_wait3A_657 = arith.constant 0 : i32
      %dma_wait3A_658 = arith.constant 0 : i32
      %dma_wait3A_659 = tpu.memref_slice %dma_wait3A_656[%dma_wait3A_657, %dma_wait3A_658] : memref<512x128xf32, #tpu.memory_space<hbm>> -> memref<64x128xf32, #tpu.memory_space<hbm>>
      tpu.wait_dma2 semaphore(%arg5 : memref<!tpu.dma_semaphore, #tpu.memory_space<semaphore_mem>>) src(%dma_wait3A_659 : memref<64x128xf32, #tpu.memory_space<hbm>>) dst(%dma_wait3A_652 : memref<64x128xf32, #tpu.memory_space<vmem_shared>>)
      %dma_wait3A_660 = arith.constant 264 : i32
      %dma_wait3A_661 = arith.constant 0 : i32
      %dma_wait3A_662 = tpu.memref_slice %arg3[%dma_wait3A_660, %dma_wait3A_661] : memref<1042x128xf32, #tpu.memory_space<vmem_shared>> -> memref<64x128xf32, #tpu.memory_space<vmem_shared>>
      %dma_wait3A_663 = arith.constant 0 : i32
      %dma_wait3A_664 = arith.constant 0 : i32
      %dma_wait3A_665 = tpu.memref_slice %arg2[%add3A_1, %dma_wait3A_663, %dma_wait3A_664] : memref<512x512x128xf32, #tpu.memory_space<hbm>> -> memref<1x512x128xf32, #tpu.memory_space<hbm>>
      %dma_wait3A_666 = tpu.memref_squeeze %dma_wait3A_665 : memref<1x512x128xf32, #tpu.memory_space<hbm>> -> memref<512x128xf32, #tpu.memory_space<hbm>>
      %dma_wait3A_667 = arith.constant 0 : i32
      %dma_wait3A_668 = arith.constant 0 : i32
      %dma_wait3A_669 = tpu.memref_slice %dma_wait3A_666[%dma_wait3A_667, %dma_wait3A_668] : memref<512x128xf32, #tpu.memory_space<hbm>> -> memref<64x128xf32, #tpu.memory_space<hbm>>
      tpu.wait_dma2 semaphore(%arg5 : memref<!tpu.dma_semaphore, #tpu.memory_space<semaphore_mem>>) src(%dma_wait3A_669 : memref<64x128xf32, #tpu.memory_space<hbm>>) dst(%dma_wait3A_662 : memref<64x128xf32, #tpu.memory_space<vmem_shared>>)
      %dma_wait3A_670 = arith.constant 328 : i32
      %dma_wait3A_671 = arith.constant 0 : i32
      %dma_wait3A_672 = tpu.memref_slice %arg3[%dma_wait3A_670, %dma_wait3A_671] : memref<1042x128xf32, #tpu.memory_space<vmem_shared>> -> memref<64x128xf32, #tpu.memory_space<vmem_shared>>
      %dma_wait3A_673 = arith.constant 0 : i32
      %dma_wait3A_674 = arith.constant 0 : i32
      %dma_wait3A_675 = tpu.memref_slice %arg2[%add3A_1, %dma_wait3A_673, %dma_wait3A_674] : memref<512x512x128xf32, #tpu.memory_space<hbm>> -> memref<1x512x128xf32, #tpu.memory_space<hbm>>
      %dma_wait3A_676 = tpu.memref_squeeze %dma_wait3A_675 : memref<1x512x128xf32, #tpu.memory_space<hbm>> -> memref<512x128xf32, #tpu.memory_space<hbm>>
      %dma_wait3A_677 = arith.constant 0 : i32
      %dma_wait3A_678 = arith.constant 0 : i32
      %dma_wait3A_679 = tpu.memref_slice %dma_wait3A_676[%dma_wait3A_677, %dma_wait3A_678] : memref<512x128xf32, #tpu.memory_space<hbm>> -> memref<64x128xf32, #tpu.memory_space<hbm>>
      tpu.wait_dma2 semaphore(%arg5 : memref<!tpu.dma_semaphore, #tpu.memory_space<semaphore_mem>>) src(%dma_wait3A_679 : memref<64x128xf32, #tpu.memory_space<hbm>>) dst(%dma_wait3A_672 : memref<64x128xf32, #tpu.memory_space<vmem_shared>>)
      %dma_wait3A_680 = arith.constant 392 : i32
      %dma_wait3A_681 = arith.constant 0 : i32
      %dma_wait3A_682 = tpu.memref_slice %arg3[%dma_wait3A_680, %dma_wait3A_681] : memref<1042x128xf32, #tpu.memory_space<vmem_shared>> -> memref<64x128xf32, #tpu.memory_space<vmem_shared>>
      %dma_wait3A_683 = arith.constant 0 : i32
      %dma_wait3A_684 = arith.constant 0 : i32
      %dma_wait3A_685 = tpu.memref_slice %arg2[%add3A_1, %dma_wait3A_683, %dma_wait3A_684] : memref<512x512x128xf32, #tpu.memory_space<hbm>> -> memref<1x512x128xf32, #tpu.memory_space<hbm>>
      %dma_wait3A_686 = tpu.memref_squeeze %dma_wait3A_685 : memref<1x512x128xf32, #tpu.memory_space<hbm>> -> memref<512x128xf32, #tpu.memory_space<hbm>>
      %dma_wait3A_687 = arith.constant 0 : i32
      %dma_wait3A_688 = arith.constant 0 : i32
      %dma_wait3A_689 = tpu.memref_slice %dma_wait3A_686[%dma_wait3A_687, %dma_wait3A_688] : memref<512x128xf32, #tpu.memory_space<hbm>> -> memref<64x128xf32, #tpu.memory_space<hbm>>
      tpu.wait_dma2 semaphore(%arg5 : memref<!tpu.dma_semaphore, #tpu.memory_space<semaphore_mem>>) src(%dma_wait3A_689 : memref<64x128xf32, #tpu.memory_space<hbm>>) dst(%dma_wait3A_682 : memref<64x128xf32, #tpu.memory_space<vmem_shared>>)
      %dma_wait3A_690 = arith.constant 456 : i32
      %dma_wait3A_691 = arith.constant 0 : i32
      %dma_wait3A_692 = tpu.memref_slice %arg3[%dma_wait3A_690, %dma_wait3A_691] : memref<1042x128xf32, #tpu.memory_space<vmem_shared>> -> memref<32x128xf32, #tpu.memory_space<vmem_shared>>
      %dma_wait3A_693 = arith.constant 0 : i32
      %dma_wait3A_694 = arith.constant 0 : i32
      %dma_wait3A_695 = tpu.memref_slice %arg2[%add3A_1, %dma_wait3A_693, %dma_wait3A_694] : memref<512x512x128xf32, #tpu.memory_space<hbm>> -> memref<1x512x128xf32, #tpu.memory_space<hbm>>
      %dma_wait3A_696 = tpu.memref_squeeze %dma_wait3A_695 : memref<1x512x128xf32, #tpu.memory_space<hbm>> -> memref<512x128xf32, #tpu.memory_space<hbm>>
      %dma_wait3A_697 = arith.constant 0 : i32
      %dma_wait3A_698 = arith.constant 0 : i32
      %dma_wait3A_699 = tpu.memref_slice %dma_wait3A_696[%dma_wait3A_697, %dma_wait3A_698] : memref<512x128xf32, #tpu.memory_space<hbm>> -> memref<32x128xf32, #tpu.memory_space<hbm>>
      tpu.wait_dma2 semaphore(%arg5 : memref<!tpu.dma_semaphore, #tpu.memory_space<semaphore_mem>>) src(%dma_wait3A_699 : memref<32x128xf32, #tpu.memory_space<hbm>>) dst(%dma_wait3A_692 : memref<32x128xf32, #tpu.memory_space<vmem_shared>>)
      %dma_wait3A_700 = arith.constant 488 : i32
      %dma_wait3A_701 = arith.constant 0 : i32
      %dma_wait3A_702 = tpu.memref_slice %arg3[%dma_wait3A_700, %dma_wait3A_701] : memref<1042x128xf32, #tpu.memory_space<vmem_shared>> -> memref<8x128xf32, #tpu.memory_space<vmem_shared>>
      %dma_wait3A_703 = arith.constant 0 : i32
      %dma_wait3A_704 = arith.constant 0 : i32
      %dma_wait3A_705 = tpu.memref_slice %arg3[%dma_wait3A_703, %dma_wait3A_704] : memref<1042x128xf32, #tpu.memory_space<vmem_shared>> -> memref<8x128xf32, #tpu.memory_space<vmem_shared>>
      tpu.wait_dma2 semaphore(%arg5 : memref<!tpu.dma_semaphore, #tpu.memory_space<semaphore_mem>>) src(%dma_wait3A_705 : memref<8x128xf32, #tpu.memory_space<vmem_shared>>) dst(%dma_wait3A_702 : memref<8x128xf32, #tpu.memory_space<vmem_shared>>)
      %dma_wait3A_706 = arith.constant 496 : i32
      %dma_wait3A_707 = arith.constant 0 : i32
      %dma_wait3A_708 = tpu.memref_slice %arg3[%dma_wait3A_706, %dma_wait3A_707] : memref<1042x128xf32, #tpu.memory_space<vmem_shared>> -> memref<5x128xf32, #tpu.memory_space<vmem_shared>>
      %dma_wait3A_709 = arith.constant 0 : i32
      %dma_wait3A_710 = arith.constant 0 : i32
      %dma_wait3A_711 = tpu.memref_slice %arg3[%dma_wait3A_709, %dma_wait3A_710] : memref<1042x128xf32, #tpu.memory_space<vmem_shared>> -> memref<5x128xf32, #tpu.memory_space<vmem_shared>>
      tpu.wait_dma2 semaphore(%arg5 : memref<!tpu.dma_semaphore, #tpu.memory_space<semaphore_mem>>) src(%dma_wait3A_711 : memref<5x128xf32, #tpu.memory_space<vmem_shared>>) dst(%dma_wait3A_708 : memref<5x128xf32, #tpu.memory_space<vmem_shared>>)
      %scan3A_712 = arith.constant 0 : i32
      %scan3A_713 = arith.constant 245 : i32
      %scan3A_714 = arith.constant 11 : i32
      %scan3A_715 = arith.addi %scan3A_713, %scan3A_714 : i32
      %scan3A_716 = arith.constant 1 : i32
      scf.for %scan3A_884 = %scan3A_713 to %scan3A_715 step %scan3A_716  : i32 {
        %add3A_885 = arith.addi %mul3A_0, %scan3A_884 : i32
        %sub3A = arith.constant 511 : i32
        %sub3A_886 = arith.subi %sub3A, %add3A_885 : i32
        %dma_start3A_887 = arith.constant 0 : i32
        %dma_start3A_888 = arith.constant 0 : i32
        %dma_start3A_889 = tpu.memref_slice %arg2[%add3A_885, %dma_start3A_887, %dma_start3A_888] : memref<512x512x128xf32, #tpu.memory_space<hbm>> -> memref<1x512x128xf32, #tpu.memory_space<hbm>>
        %dma_start3A_890 = tpu.memref_squeeze %dma_start3A_889 : memref<1x512x128xf32, #tpu.memory_space<hbm>> -> memref<512x128xf32, #tpu.memory_space<hbm>>
        %dma_start3A_891 = arith.constant 0 : i32
        %dma_start3A_892 = tpu.memref_slice %arg3[%sub3A_886, %dma_start3A_891] : memref<1042x128xf32, #tpu.memory_space<vmem_shared>> -> memref<512x128xf32, #tpu.memory_space<vmem_shared>>
        tpu.enqueue_dma source(%dma_start3A_892 : memref<512x128xf32, #tpu.memory_space<vmem_shared>>) target(%dma_start3A_890 : memref<512x128xf32, #tpu.memory_space<hbm>>) target_semaphore(%arg4 : memref<!tpu.dma_semaphore, #tpu.memory_space<semaphore_mem>>)
      }
      %scan3A_717 = arith.constant 11 : i32
      %dma_start3A_718 = arith.constant 530 : i32
      %dma_start3A_719 = arith.constant 0 : i32
      %dma_start3A_720 = tpu.memref_slice %arg3[%dma_start3A_718, %dma_start3A_719] : memref<1042x128xf32, #tpu.memory_space<vmem_shared>> -> memref<64x128xf32, #tpu.memory_space<vmem_shared>>
      %dma_start3A_721 = arith.constant 0 : i32
      %dma_start3A_722 = arith.constant 0 : i32
      %dma_start3A_723 = tpu.memref_slice %arg2[%add3A_5, %dma_start3A_721, %dma_start3A_722] : memref<512x512x128xf32, #tpu.memory_space<hbm>> -> memref<1x512x128xf32, #tpu.memory_space<hbm>>
      %dma_start3A_724 = tpu.memref_squeeze %dma_start3A_723 : memref<1x512x128xf32, #tpu.memory_space<hbm>> -> memref<512x128xf32, #tpu.memory_space<hbm>>
      %dma_start3A_725 = arith.constant 0 : i32
      %dma_start3A_726 = arith.constant 0 : i32
      %dma_start3A_727 = tpu.memref_slice %dma_start3A_724[%dma_start3A_725, %dma_start3A_726] : memref<512x128xf32, #tpu.memory_space<hbm>> -> memref<64x128xf32, #tpu.memory_space<hbm>>
      tpu.enqueue_dma source(%dma_start3A_727 : memref<64x128xf32, #tpu.memory_space<hbm>>) target(%dma_start3A_720 : memref<64x128xf32, #tpu.memory_space<vmem_shared>>) target_semaphore(%arg5 : memref<!tpu.dma_semaphore, #tpu.memory_space<semaphore_mem>>)
      %dma_start3A_728 = arith.constant 594 : i32
      %dma_start3A_729 = arith.constant 0 : i32
      %dma_start3A_730 = tpu.memref_slice %arg3[%dma_start3A_728, %dma_start3A_729] : memref<1042x128xf32, #tpu.memory_space<vmem_shared>> -> memref<64x128xf32, #tpu.memory_space<vmem_shared>>
      %dma_start3A_731 = arith.constant 0 : i32
      %dma_start3A_732 = arith.constant 0 : i32
      %dma_start3A_733 = tpu.memref_slice %arg2[%add3A_5, %dma_start3A_731, %dma_start3A_732] : memref<512x512x128xf32, #tpu.memory_space<hbm>> -> memref<1x512x128xf32, #tpu.memory_space<hbm>>
      %dma_start3A_734 = tpu.memref_squeeze %dma_start3A_733 : memref<1x512x128xf32, #tpu.memory_space<hbm>> -> memref<512x128xf32, #tpu.memory_space<hbm>>
      %dma_start3A_735 = arith.constant 0 : i32
      %dma_start3A_736 = arith.constant 0 : i32
      %dma_start3A_737 = tpu.memref_slice %dma_start3A_734[%dma_start3A_735, %dma_start3A_736] : memref<512x128xf32, #tpu.memory_space<hbm>> -> memref<64x128xf32, #tpu.memory_space<hbm>>
      tpu.enqueue_dma source(%dma_start3A_737 : memref<64x128xf32, #tpu.memory_space<hbm>>) target(%dma_start3A_730 : memref<64x128xf32, #tpu.memory_space<vmem_shared>>) target_semaphore(%arg5 : memref<!tpu.dma_semaphore, #tpu.memory_space<semaphore_mem>>)
      %dma_start3A_738 = arith.constant 658 : i32
      %dma_start3A_739 = arith.constant 0 : i32
      %dma_start3A_740 = tpu.memref_slice %arg3[%dma_start3A_738, %dma_start3A_739] : memref<1042x128xf32, #tpu.memory_space<vmem_shared>> -> memref<64x128xf32, #tpu.memory_space<vmem_shared>>
      %dma_start3A_741 = arith.constant 0 : i32
      %dma_start3A_742 = arith.constant 0 : i32
      %dma_start3A_743 = tpu.memref_slice %arg2[%add3A_5, %dma_start3A_741, %dma_start3A_742] : memref<512x512x128xf32, #tpu.memory_space<hbm>> -> memref<1x512x128xf32, #tpu.memory_space<hbm>>
      %dma_start3A_744 = tpu.memref_squeeze %dma_start3A_743 : memref<1x512x128xf32, #tpu.memory_space<hbm>> -> memref<512x128xf32, #tpu.memory_space<hbm>>
      %dma_start3A_745 = arith.constant 0 : i32
      %dma_start3A_746 = arith.constant 0 : i32
      %dma_start3A_747 = tpu.memref_slice %dma_start3A_744[%dma_start3A_745, %dma_start3A_746] : memref<512x128xf32, #tpu.memory_space<hbm>> -> memref<64x128xf32, #tpu.memory_space<hbm>>
      tpu.enqueue_dma source(%dma_start3A_747 : memref<64x128xf32, #tpu.memory_space<hbm>>) target(%dma_start3A_740 : memref<64x128xf32, #tpu.memory_space<vmem_shared>>) target_semaphore(%arg5 : memref<!tpu.dma_semaphore, #tpu.memory_space<semaphore_mem>>)
      %dma_start3A_748 = arith.constant 722 : i32
      %dma_start3A_749 = arith.constant 0 : i32
      %dma_start3A_750 = tpu.memref_slice %arg3[%dma_start3A_748, %dma_start3A_749] : memref<1042x128xf32, #tpu.memory_space<vmem_shared>> -> memref<64x128xf32, #tpu.memory_space<vmem_shared>>
      %dma_start3A_751 = arith.constant 0 : i32
      %dma_start3A_752 = arith.constant 0 : i32
      %dma_start3A_753 = tpu.memref_slice %arg2[%add3A_5, %dma_start3A_751, %dma_start3A_752] : memref<512x512x128xf32, #tpu.memory_space<hbm>> -> memref<1x512x128xf32, #tpu.memory_space<hbm>>
      %dma_start3A_754 = tpu.memref_squeeze %dma_start3A_753 : memref<1x512x128xf32, #tpu.memory_space<hbm>> -> memref<512x128xf32, #tpu.memory_space<hbm>>
      %dma_start3A_755 = arith.constant 0 : i32
      %dma_start3A_756 = arith.constant 0 : i32
      %dma_start3A_757 = tpu.memref_slice %dma_start3A_754[%dma_start3A_755, %dma_start3A_756] : memref<512x128xf32, #tpu.memory_space<hbm>> -> memref<64x128xf32, #tpu.memory_space<hbm>>
      tpu.enqueue_dma source(%dma_start3A_757 : memref<64x128xf32, #tpu.memory_space<hbm>>) target(%dma_start3A_750 : memref<64x128xf32, #tpu.memory_space<vmem_shared>>) target_semaphore(%arg5 : memref<!tpu.dma_semaphore, #tpu.memory_space<semaphore_mem>>)
      %dma_start3A_758 = arith.constant 786 : i32
      %dma_start3A_759 = arith.constant 0 : i32
      %dma_start3A_760 = tpu.memref_slice %arg3[%dma_start3A_758, %dma_start3A_759] : memref<1042x128xf32, #tpu.memory_space<vmem_shared>> -> memref<64x128xf32, #tpu.memory_space<vmem_shared>>
      %dma_start3A_761 = arith.constant 0 : i32
      %dma_start3A_762 = arith.constant 0 : i32
      %dma_start3A_763 = tpu.memref_slice %arg2[%add3A_5, %dma_start3A_761, %dma_start3A_762] : memref<512x512x128xf32, #tpu.memory_space<hbm>> -> memref<1x512x128xf32, #tpu.memory_space<hbm>>
      %dma_start3A_764 = tpu.memref_squeeze %dma_start3A_763 : memref<1x512x128xf32, #tpu.memory_space<hbm>> -> memref<512x128xf32, #tpu.memory_space<hbm>>
      %dma_start3A_765 = arith.constant 0 : i32
      %dma_start3A_766 = arith.constant 0 : i32
      %dma_start3A_767 = tpu.memref_slice %dma_start3A_764[%dma_start3A_765, %dma_start3A_766] : memref<512x128xf32, #tpu.memory_space<hbm>> -> memref<64x128xf32, #tpu.memory_space<hbm>>
      tpu.enqueue_dma source(%dma_start3A_767 : memref<64x128xf32, #tpu.memory_space<hbm>>) target(%dma_start3A_760 : memref<64x128xf32, #tpu.memory_space<vmem_shared>>) target_semaphore(%arg5 : memref<!tpu.dma_semaphore, #tpu.memory_space<semaphore_mem>>)
      %dma_start3A_768 = arith.constant 850 : i32
      %dma_start3A_769 = arith.constant 0 : i32
      %dma_start3A_770 = tpu.memref_slice %arg3[%dma_start3A_768, %dma_start3A_769] : memref<1042x128xf32, #tpu.memory_space<vmem_shared>> -> memref<64x128xf32, #tpu.memory_space<vmem_shared>>
      %dma_start3A_771 = arith.constant 0 : i32
      %dma_start3A_772 = arith.constant 0 : i32
      %dma_start3A_773 = tpu.memref_slice %arg2[%add3A_5, %dma_start3A_771, %dma_start3A_772] : memref<512x512x128xf32, #tpu.memory_space<hbm>> -> memref<1x512x128xf32, #tpu.memory_space<hbm>>
      %dma_start3A_774 = tpu.memref_squeeze %dma_start3A_773 : memref<1x512x128xf32, #tpu.memory_space<hbm>> -> memref<512x128xf32, #tpu.memory_space<hbm>>
      %dma_start3A_775 = arith.constant 0 : i32
      %dma_start3A_776 = arith.constant 0 : i32
      %dma_start3A_777 = tpu.memref_slice %dma_start3A_774[%dma_start3A_775, %dma_start3A_776] : memref<512x128xf32, #tpu.memory_space<hbm>> -> memref<64x128xf32, #tpu.memory_space<hbm>>
      tpu.enqueue_dma source(%dma_start3A_777 : memref<64x128xf32, #tpu.memory_space<hbm>>) target(%dma_start3A_770 : memref<64x128xf32, #tpu.memory_space<vmem_shared>>) target_semaphore(%arg5 : memref<!tpu.dma_semaphore, #tpu.memory_space<semaphore_mem>>)
      %dma_start3A_778 = arith.constant 914 : i32
      %dma_start3A_779 = arith.constant 0 : i32
      %dma_start3A_780 = tpu.memref_slice %arg3[%dma_start3A_778, %dma_start3A_779] : memref<1042x128xf32, #tpu.memory_space<vmem_shared>> -> memref<64x128xf32, #tpu.memory_space<vmem_shared>>
      %dma_start3A_781 = arith.constant 0 : i32
      %dma_start3A_782 = arith.constant 0 : i32
      %dma_start3A_783 = tpu.memref_slice %arg2[%add3A_5, %dma_start3A_781, %dma_start3A_782] : memref<512x512x128xf32, #tpu.memory_space<hbm>> -> memref<1x512x128xf32, #tpu.memory_space<hbm>>
      %dma_start3A_784 = tpu.memref_squeeze %dma_start3A_783 : memref<1x512x128xf32, #tpu.memory_space<hbm>> -> memref<512x128xf32, #tpu.memory_space<hbm>>
      %dma_start3A_785 = arith.constant 0 : i32
      %dma_start3A_786 = arith.constant 0 : i32
      %dma_start3A_787 = tpu.memref_slice %dma_start3A_784[%dma_start3A_785, %dma_start3A_786] : memref<512x128xf32, #tpu.memory_space<hbm>> -> memref<64x128xf32, #tpu.memory_space<hbm>>
      tpu.enqueue_dma source(%dma_start3A_787 : memref<64x128xf32, #tpu.memory_space<hbm>>) target(%dma_start3A_780 : memref<64x128xf32, #tpu.memory_space<vmem_shared>>) target_semaphore(%arg5 : memref<!tpu.dma_semaphore, #tpu.memory_space<semaphore_mem>>)
      %dma_start3A_788 = arith.constant 978 : i32
      %dma_start3A_789 = arith.constant 0 : i32
      %dma_start3A_790 = tpu.memref_slice %arg3[%dma_start3A_788, %dma_start3A_789] : memref<1042x128xf32, #tpu.memory_space<vmem_shared>> -> memref<64x128xf32, #tpu.memory_space<vmem_shared>>
      %dma_start3A_791 = arith.constant 0 : i32
      %dma_start3A_792 = arith.constant 0 : i32
      %dma_start3A_793 = tpu.memref_slice %arg2[%add3A_5, %dma_start3A_791, %dma_start3A_792] : memref<512x512x128xf32, #tpu.memory_space<hbm>> -> memref<1x512x128xf32, #tpu.memory_space<hbm>>
      %dma_start3A_794 = tpu.memref_squeeze %dma_start3A_793 : memref<1x512x128xf32, #tpu.memory_space<hbm>> -> memref<512x128xf32, #tpu.memory_space<hbm>>
      %dma_start3A_795 = arith.constant 0 : i32
      %dma_start3A_796 = arith.constant 0 : i32
      %dma_start3A_797 = tpu.memref_slice %dma_start3A_794[%dma_start3A_795, %dma_start3A_796] : memref<512x128xf32, #tpu.memory_space<hbm>> -> memref<64x128xf32, #tpu.memory_space<hbm>>
      tpu.enqueue_dma source(%dma_start3A_797 : memref<64x128xf32, #tpu.memory_space<hbm>>) target(%dma_start3A_790 : memref<64x128xf32, #tpu.memory_space<vmem_shared>>) target_semaphore(%arg5 : memref<!tpu.dma_semaphore, #tpu.memory_space<semaphore_mem>>)
      %dma_wait3A_798 = arith.constant 530 : i32
      %dma_wait3A_799 = arith.constant 0 : i32
      %dma_wait3A_800 = tpu.memref_slice %arg3[%dma_wait3A_798, %dma_wait3A_799] : memref<1042x128xf32, #tpu.memory_space<vmem_shared>> -> memref<64x128xf32, #tpu.memory_space<vmem_shared>>
      %dma_wait3A_801 = arith.constant 0 : i32
      %dma_wait3A_802 = arith.constant 0 : i32
      %dma_wait3A_803 = tpu.memref_slice %arg2[%add3A_5, %dma_wait3A_801, %dma_wait3A_802] : memref<512x512x128xf32, #tpu.memory_space<hbm>> -> memref<1x512x128xf32, #tpu.memory_space<hbm>>
      %dma_wait3A_804 = tpu.memref_squeeze %dma_wait3A_803 : memref<1x512x128xf32, #tpu.memory_space<hbm>> -> memref<512x128xf32, #tpu.memory_space<hbm>>
      %dma_wait3A_805 = arith.constant 0 : i32
      %dma_wait3A_806 = arith.constant 0 : i32
      %dma_wait3A_807 = tpu.memref_slice %dma_wait3A_804[%dma_wait3A_805, %dma_wait3A_806] : memref<512x128xf32, #tpu.memory_space<hbm>> -> memref<64x128xf32, #tpu.memory_space<hbm>>
      tpu.wait_dma2 semaphore(%arg5 : memref<!tpu.dma_semaphore, #tpu.memory_space<semaphore_mem>>) src(%dma_wait3A_807 : memref<64x128xf32, #tpu.memory_space<hbm>>) dst(%dma_wait3A_800 : memref<64x128xf32, #tpu.memory_space<vmem_shared>>)
      %dma_wait3A_808 = arith.constant 594 : i32
      %dma_wait3A_809 = arith.constant 0 : i32
      %dma_wait3A_810 = tpu.memref_slice %arg3[%dma_wait3A_808, %dma_wait3A_809] : memref<1042x128xf32, #tpu.memory_space<vmem_shared>> -> memref<64x128xf32, #tpu.memory_space<vmem_shared>>
      %dma_wait3A_811 = arith.constant 0 : i32
      %dma_wait3A_812 = arith.constant 0 : i32
      %dma_wait3A_813 = tpu.memref_slice %arg2[%add3A_5, %dma_wait3A_811, %dma_wait3A_812] : memref<512x512x128xf32, #tpu.memory_space<hbm>> -> memref<1x512x128xf32, #tpu.memory_space<hbm>>
      %dma_wait3A_814 = tpu.memref_squeeze %dma_wait3A_813 : memref<1x512x128xf32, #tpu.memory_space<hbm>> -> memref<512x128xf32, #tpu.memory_space<hbm>>
      %dma_wait3A_815 = arith.constant 0 : i32
      %dma_wait3A_816 = arith.constant 0 : i32
      %dma_wait3A_817 = tpu.memref_slice %dma_wait3A_814[%dma_wait3A_815, %dma_wait3A_816] : memref<512x128xf32, #tpu.memory_space<hbm>> -> memref<64x128xf32, #tpu.memory_space<hbm>>
      tpu.wait_dma2 semaphore(%arg5 : memref<!tpu.dma_semaphore, #tpu.memory_space<semaphore_mem>>) src(%dma_wait3A_817 : memref<64x128xf32, #tpu.memory_space<hbm>>) dst(%dma_wait3A_810 : memref<64x128xf32, #tpu.memory_space<vmem_shared>>)
      %dma_wait3A_818 = arith.constant 658 : i32
      %dma_wait3A_819 = arith.constant 0 : i32
      %dma_wait3A_820 = tpu.memref_slice %arg3[%dma_wait3A_818, %dma_wait3A_819] : memref<1042x128xf32, #tpu.memory_space<vmem_shared>> -> memref<64x128xf32, #tpu.memory_space<vmem_shared>>
      %dma_wait3A_821 = arith.constant 0 : i32
      %dma_wait3A_822 = arith.constant 0 : i32
      %dma_wait3A_823 = tpu.memref_slice %arg2[%add3A_5, %dma_wait3A_821, %dma_wait3A_822] : memref<512x512x128xf32, #tpu.memory_space<hbm>> -> memref<1x512x128xf32, #tpu.memory_space<hbm>>
      %dma_wait3A_824 = tpu.memref_squeeze %dma_wait3A_823 : memref<1x512x128xf32, #tpu.memory_space<hbm>> -> memref<512x128xf32, #tpu.memory_space<hbm>>
      %dma_wait3A_825 = arith.constant 0 : i32
      %dma_wait3A_826 = arith.constant 0 : i32
      %dma_wait3A_827 = tpu.memref_slice %dma_wait3A_824[%dma_wait3A_825, %dma_wait3A_826] : memref<512x128xf32, #tpu.memory_space<hbm>> -> memref<64x128xf32, #tpu.memory_space<hbm>>
      tpu.wait_dma2 semaphore(%arg5 : memref<!tpu.dma_semaphore, #tpu.memory_space<semaphore_mem>>) src(%dma_wait3A_827 : memref<64x128xf32, #tpu.memory_space<hbm>>) dst(%dma_wait3A_820 : memref<64x128xf32, #tpu.memory_space<vmem_shared>>)
      %dma_wait3A_828 = arith.constant 722 : i32
      %dma_wait3A_829 = arith.constant 0 : i32
      %dma_wait3A_830 = tpu.memref_slice %arg3[%dma_wait3A_828, %dma_wait3A_829] : memref<1042x128xf32, #tpu.memory_space<vmem_shared>> -> memref<64x128xf32, #tpu.memory_space<vmem_shared>>
      %dma_wait3A_831 = arith.constant 0 : i32
      %dma_wait3A_832 = arith.constant 0 : i32
      %dma_wait3A_833 = tpu.memref_slice %arg2[%add3A_5, %dma_wait3A_831, %dma_wait3A_832] : memref<512x512x128xf32, #tpu.memory_space<hbm>> -> memref<1x512x128xf32, #tpu.memory_space<hbm>>
      %dma_wait3A_834 = tpu.memref_squeeze %dma_wait3A_833 : memref<1x512x128xf32, #tpu.memory_space<hbm>> -> memref<512x128xf32, #tpu.memory_space<hbm>>
      %dma_wait3A_835 = arith.constant 0 : i32
      %dma_wait3A_836 = arith.constant 0 : i32
      %dma_wait3A_837 = tpu.memref_slice %dma_wait3A_834[%dma_wait3A_835, %dma_wait3A_836] : memref<512x128xf32, #tpu.memory_space<hbm>> -> memref<64x128xf32, #tpu.memory_space<hbm>>
      tpu.wait_dma2 semaphore(%arg5 : memref<!tpu.dma_semaphore, #tpu.memory_space<semaphore_mem>>) src(%dma_wait3A_837 : memref<64x128xf32, #tpu.memory_space<hbm>>) dst(%dma_wait3A_830 : memref<64x128xf32, #tpu.memory_space<vmem_shared>>)
      %dma_wait3A_838 = arith.constant 786 : i32
      %dma_wait3A_839 = arith.constant 0 : i32
      %dma_wait3A_840 = tpu.memref_slice %arg3[%dma_wait3A_838, %dma_wait3A_839] : memref<1042x128xf32, #tpu.memory_space<vmem_shared>> -> memref<64x128xf32, #tpu.memory_space<vmem_shared>>
      %dma_wait3A_841 = arith.constant 0 : i32
      %dma_wait3A_842 = arith.constant 0 : i32
      %dma_wait3A_843 = tpu.memref_slice %arg2[%add3A_5, %dma_wait3A_841, %dma_wait3A_842] : memref<512x512x128xf32, #tpu.memory_space<hbm>> -> memref<1x512x128xf32, #tpu.memory_space<hbm>>
      %dma_wait3A_844 = tpu.memref_squeeze %dma_wait3A_843 : memref<1x512x128xf32, #tpu.memory_space<hbm>> -> memref<512x128xf32, #tpu.memory_space<hbm>>
      %dma_wait3A_845 = arith.constant 0 : i32
      %dma_wait3A_846 = arith.constant 0 : i32
      %dma_wait3A_847 = tpu.memref_slice %dma_wait3A_844[%dma_wait3A_845, %dma_wait3A_846] : memref<512x128xf32, #tpu.memory_space<hbm>> -> memref<64x128xf32, #tpu.memory_space<hbm>>
      tpu.wait_dma2 semaphore(%arg5 : memref<!tpu.dma_semaphore, #tpu.memory_space<semaphore_mem>>) src(%dma_wait3A_847 : memref<64x128xf32, #tpu.memory_space<hbm>>) dst(%dma_wait3A_840 : memref<64x128xf32, #tpu.memory_space<vmem_shared>>)
      %dma_wait3A_848 = arith.constant 850 : i32
      %dma_wait3A_849 = arith.constant 0 : i32
      %dma_wait3A_850 = tpu.memref_slice %arg3[%dma_wait3A_848, %dma_wait3A_849] : memref<1042x128xf32, #tpu.memory_space<vmem_shared>> -> memref<64x128xf32, #tpu.memory_space<vmem_shared>>
      %dma_wait3A_851 = arith.constant 0 : i32
      %dma_wait3A_852 = arith.constant 0 : i32
      %dma_wait3A_853 = tpu.memref_slice %arg2[%add3A_5, %dma_wait3A_851, %dma_wait3A_852] : memref<512x512x128xf32, #tpu.memory_space<hbm>> -> memref<1x512x128xf32, #tpu.memory_space<hbm>>
      %dma_wait3A_854 = tpu.memref_squeeze %dma_wait3A_853 : memref<1x512x128xf32, #tpu.memory_space<hbm>> -> memref<512x128xf32, #tpu.memory_space<hbm>>
      %dma_wait3A_855 = arith.constant 0 : i32
      %dma_wait3A_856 = arith.constant 0 : i32
      %dma_wait3A_857 = tpu.memref_slice %dma_wait3A_854[%dma_wait3A_855, %dma_wait3A_856] : memref<512x128xf32, #tpu.memory_space<hbm>> -> memref<64x128xf32, #tpu.memory_space<hbm>>
      tpu.wait_dma2 semaphore(%arg5 : memref<!tpu.dma_semaphore, #tpu.memory_space<semaphore_mem>>) src(%dma_wait3A_857 : memref<64x128xf32, #tpu.memory_space<hbm>>) dst(%dma_wait3A_850 : memref<64x128xf32, #tpu.memory_space<vmem_shared>>)
      %dma_wait3A_858 = arith.constant 914 : i32
      %dma_wait3A_859 = arith.constant 0 : i32
      %dma_wait3A_860 = tpu.memref_slice %arg3[%dma_wait3A_858, %dma_wait3A_859] : memref<1042x128xf32, #tpu.memory_space<vmem_shared>> -> memref<64x128xf32, #tpu.memory_space<vmem_shared>>
      %dma_wait3A_861 = arith.constant 0 : i32
      %dma_wait3A_862 = arith.constant 0 : i32
      %dma_wait3A_863 = tpu.memref_slice %arg2[%add3A_5, %dma_wait3A_861, %dma_wait3A_862] : memref<512x512x128xf32, #tpu.memory_space<hbm>> -> memref<1x512x128xf32, #tpu.memory_space<hbm>>
      %dma_wait3A_864 = tpu.memref_squeeze %dma_wait3A_863 : memref<1x512x128xf32, #tpu.memory_space<hbm>> -> memref<512x128xf32, #tpu.memory_space<hbm>>
      %dma_wait3A_865 = arith.constant 0 : i32
      %dma_wait3A_866 = arith.constant 0 : i32
      %dma_wait3A_867 = tpu.memref_slice %dma_wait3A_864[%dma_wait3A_865, %dma_wait3A_866] : memref<512x128xf32, #tpu.memory_space<hbm>> -> memref<64x128xf32, #tpu.memory_space<hbm>>
      tpu.wait_dma2 semaphore(%arg5 : memref<!tpu.dma_semaphore, #tpu.memory_space<semaphore_mem>>) src(%dma_wait3A_867 : memref<64x128xf32, #tpu.memory_space<hbm>>) dst(%dma_wait3A_860 : memref<64x128xf32, #tpu.memory_space<vmem_shared>>)
      %dma_wait3A_868 = arith.constant 978 : i32
      %dma_wait3A_869 = arith.constant 0 : i32
      %dma_wait3A_870 = tpu.memref_slice %arg3[%dma_wait3A_868, %dma_wait3A_869] : memref<1042x128xf32, #tpu.memory_space<vmem_shared>> -> memref<64x128xf32, #tpu.memory_space<vmem_shared>>
      %dma_wait3A_871 = arith.constant 0 : i32
      %dma_wait3A_872 = arith.constant 0 : i32
      %dma_wait3A_873 = tpu.memref_slice %arg2[%add3A_5, %dma_wait3A_871, %dma_wait3A_872] : memref<512x512x128xf32, #tpu.memory_space<hbm>> -> memref<1x512x128xf32, #tpu.memory_space<hbm>>
      %dma_wait3A_874 = tpu.memref_squeeze %dma_wait3A_873 : memref<1x512x128xf32, #tpu.memory_space<hbm>> -> memref<512x128xf32, #tpu.memory_space<hbm>>
      %dma_wait3A_875 = arith.constant 0 : i32
      %dma_wait3A_876 = arith.constant 0 : i32
      %dma_wait3A_877 = tpu.memref_slice %dma_wait3A_874[%dma_wait3A_875, %dma_wait3A_876] : memref<512x128xf32, #tpu.memory_space<hbm>> -> memref<64x128xf32, #tpu.memory_space<hbm>>
      tpu.wait_dma2 semaphore(%arg5 : memref<!tpu.dma_semaphore, #tpu.memory_space<semaphore_mem>>) src(%dma_wait3A_877 : memref<64x128xf32, #tpu.memory_space<hbm>>) dst(%dma_wait3A_870 : memref<64x128xf32, #tpu.memory_space<vmem_shared>>)
      %scan3A_878 = arith.constant 0 : i32
      %scan3A_879 = arith.constant 0 : i32
      %scan3A_880 = arith.constant 245 : i32
      %scan3A_881 = arith.addi %scan3A_879, %scan3A_880 : i32
      %scan3A_882 = arith.constant 1 : i32
      scf.for %scan3A_884 = %scan3A_879 to %scan3A_881 step %scan3A_882  : i32 {
        %add3A_885 = arith.addi %mul3A_0, %scan3A_884 : i32
        %sub3A = arith.constant 511 : i32
        %sub3A_886 = arith.subi %sub3A, %add3A_885 : i32
        %dma_start3A_887 = arith.constant 0 : i32
        %dma_start3A_888 = arith.constant 0 : i32
        %dma_start3A_889 = tpu.memref_slice %arg2[%add3A_885, %dma_start3A_887, %dma_start3A_888] : memref<512x512x128xf32, #tpu.memory_space<hbm>> -> memref<1x512x128xf32, #tpu.memory_space<hbm>>
        %dma_start3A_890 = tpu.memref_squeeze %dma_start3A_889 : memref<1x512x128xf32, #tpu.memory_space<hbm>> -> memref<512x128xf32, #tpu.memory_space<hbm>>
        %dma_start3A_891 = arith.constant 0 : i32
        %dma_start3A_892 = tpu.memref_slice %arg3[%sub3A_886, %dma_start3A_891] : memref<1042x128xf32, #tpu.memory_space<vmem_shared>> -> memref<512x128xf32, #tpu.memory_space<vmem_shared>>
        tpu.enqueue_dma source(%dma_start3A_892 : memref<512x128xf32, #tpu.memory_space<vmem_shared>>) target(%dma_start3A_890 : memref<512x128xf32, #tpu.memory_space<hbm>>) target_semaphore(%arg4 : memref<!tpu.dma_semaphore, #tpu.memory_space<semaphore_mem>>)
      }
      %scan3A_883 = arith.constant 245 : i32
    } else {
    }
    %scan3A = arith.constant 0 : i32
    %scan3A_523 = arith.constant 0 : i32
    %scan3A_524 = arith.constant 256 : i32
    %scan3A_525 = arith.addi %scan3A_523, %scan3A_524 : i32
    %scan3A_526 = arith.constant 1 : i32
    scf.for %scan3A_528 = %scan3A_523 to %scan3A_525 step %scan3A_526  : i32 {
      %dma_wait3A_529 = arith.constant 0 : i32
      %dma_wait3A_530 = arith.constant 0 : i32
      %dma_wait3A_531 = arith.constant 0 : i32
      %dma_wait3A_532 = tpu.memref_slice %arg3[%dma_wait3A_530, %dma_wait3A_531] : memref<1042x128xf32, #tpu.memory_space<vmem_shared>> -> memref<512x128xf32, #tpu.memory_space<vmem_shared>>
      %dma_wait3A_533 = arith.constant 0 : i32
      %dma_wait3A_534 = arith.constant 0 : i32
      %dma_wait3A_535 = tpu.memref_slice %arg2[%dma_wait3A_529, %dma_wait3A_533, %dma_wait3A_534] : memref<512x512x128xf32, #tpu.memory_space<hbm>> -> memref<1x512x128xf32, #tpu.memory_space<hbm>>
      %dma_wait3A_536 = tpu.memref_squeeze %dma_wait3A_535 : memref<1x512x128xf32, #tpu.memory_space<hbm>> -> memref<512x128xf32, #tpu.memory_space<hbm>>
      tpu.wait_dma2 semaphore(%arg4 : memref<!tpu.dma_semaphore, #tpu.memory_space<semaphore_mem>>) src(%dma_wait3A_536 : memref<512x128xf32, #tpu.memory_space<hbm>>) dst(%dma_wait3A_532 : memref<512x128xf32, #tpu.memory_space<vmem_shared>>)
    }
    %scan3A_527 = arith.constant 256 : i32
    return
  }
}

</mosaic_0001>

<sc_bundles>
// kernel: kernel.3.cloned.1.call-start
scs
__scs_entry_jumppad:
0x0: {  	(pc) =	sbr.rel $0x88, $3  }
0x1: {  	(tag) =	ssettag $0x0;
	lr =	simm.s32 $0x1  }
0x2: {  	[smem:$0x3FA0] =	sst lr;
	_ =	strace $0xD0000000  }
0x3: {  	_ = 	snop  }
0x4: {  	_ = 	snop  }
0x5: {  	_ = 	snop  }
0x6: {  	_ = 	snop  }
0x7: {  	_ = 	snop  }
__scs_overlays_trampoline_lowered:
0x8: {  	[smem:$0x3FAF] =	sst s0  }
0x9: {  	[smem:$0x3FB0] =	sst s1  }
0xa: {  	[smem:$0x3FB1] =	sst s2  }
0xb: {  	[smem:$0x3FB2] =	sst s3  }
0xc: {  	[smem:$0x3FB3] =	sst s4  }
0xd: {  	[smem:$0x3FB4] =	sst s5  }
0xe: {  	[smem:$0x3FB5] =	sst s6  }
0xf: {  	[smem:$0x3FB6] =	sst s7  }
0x10: {  	[smem:$0x3FB7] =	sst s8  }
0x11: {  	[smem:$0x3FB8] =	sst s9;
	s0 =	simm.s32 @!p0 $0x0  }
0x12: {  	s1 =	sld [smem:$0x3F9E];
	s0 =	simm.s32 @p0 $0x1  }
0x13: {  	[smem:$0x3FB9] =	sst s0;
	s0 =	simm.s32 @!p1 $0x0  }
0x14: {  	s2 =	sld [smem:$0x3F9D];
	s0 =	simm.s32 @p1 $0x1  }
0x15: {  	[smem:$0x3FBA] =	sst s0;
	s0 =	simm.s32 @!p2 $0x0  }
0x16: {  	s3 =	sld [smem:$0x3FDB];
	s0 =	simm.s32 @p2 $0x1  }
0x17: {  	s4 =	simm.s32 $0x1BF5;
	[smem:$0x3FBC] =	sst s0  }
0x18: {  	s0 =	sld [smem:$0x3F9F];
	_ =	swait.ge [sflag:s4], $0x0  }
0x19: {  	s7 =	sld [smem:$0x3FA0]  }
0x1a: {  	s8 =	sadd.s32 $0xFFFFE003, lr  }
0x1b: {  	s9 =	sadd.s32 $0xFFFFFEF7, lr;
	s5 =	simm.s32 $0xFFFFFFFF;
	p2 =	slt.u32 s8, $0xFFFFF086  }
0x1c: {  	p1 =	slt.u32 s9, $0xF7A;
	s5 =	simm.s32 @!p2 $0x0  }
0x1d: {  	s5 =	simm.s32 @p1 $0x1;
	p0 =	seq.s32 s7, s2  }
0x1e: {  	s7 =	smul.u32 @!p0 $0xF7A, s2;
	p2 =	seq.s32 @!p0 s5, $0x0  }
0x1f: {  	s9 =	smul.u32 $0xF7A, s1;
	s8 =	simm.s32 @!p0 $0x1BF5;
	p2 =	por !p2, p0  }
0x20: {  	[sflag:s8] =	ssyncset.s32 @!p0 $0xFFFFF086;
	s6 =	sadd.s32 @!p0 s3, s7;
	s7 =	simm.s32 @!p0 $0x108  }
0x21: {  	s3 =	sadd.s32 s3, s9;
	s6 =	sadd.s32 @!p0 $0x88, s6;
	s7 =	simm.s32 @p2 $0x1082  }
0x22: {  	[simem:s7], [sflag:s8] =	dma.local @!p0 [hbm:s6], $0xF7A  }
0x23: {  	s9 =	sor.u32 $0xD0000000, s2;
	s6 =	simm.s32 $0x108;
	_ =	swait.ge @!p0 [sflag:s8], $0x0  }
0x24: {  	s3 =	sadd.s32 $0x88, s3;
	s6 =	simm.s32 @!p1 $0x1082;
	[sflag:s4] =	ssyncset.s32 $0xFFFFF086  }
0x25: {  	[simem:s6], [sflag:s4] =	dma.local [hbm:s3], $0xF7A  }
0x26: {  	[smem:$0x3FA0] =	sst s1;
	(tag) =	ssettag s2;
	_ =	strace s9  }
0x27: {  	s1 =	sld [smem:$0x3FB0]  }
0x28: {  	s2 =	sld [smem:$0x3FB1]  }
0x29: {  	s4 =	sld [smem:$0x3FB3]  }
0x2a: {  	p0 =	seq.s32 s5, $0x0;
	s5 =	sld [smem:$0x3FB4]  }
0x2b: {  	s6 =	sld [smem:$0x3FB5]  }
0x2c: {  	s7 =	sld [smem:$0x3FB6]  }
0x2d: {  	s3 =	simm.s32 $0x108;
	s8 =	sld [smem:$0x3FB7]  }
0x2e: {  	s3 =	simm.s32 @!p0 $0x1082;
	s9 =	sld [smem:$0x3FB8]  }
0x2f: {  	lr =	sadd.s32 s0, s3;
	s0 =	sld [smem:$0x3FAF]  }
0x30: {  	s3 =	sld [smem:$0x3FB2]  }
0x31: {  	[smem:$0x3FBB] =	sst s10  }
0x32: {  	s10 =	sld [smem:$0x3FB9];
	_ =	sdelay $0x3  }
0x33: {  	p0 =	seq.s32 s10, $0x1;
	s10 =	sld [smem:$0x3FBB];
	_ =	sdelay $0x3  }
0x34: {  	[smem:$0x3FBB] =	sst s10  }
0x35: {  	s10 =	sld [smem:$0x3FBA];
	_ =	sdelay $0x3  }
0x36: {  	p1 =	seq.s32 s10, $0x1;
	s10 =	sld [smem:$0x3FBB];
	_ =	sdelay $0x3  }
0x37: {  	[smem:$0x3FBB] =	sst s10  }
0x38: {  	s10 =	sld [smem:$0x3FBC]  }
0x39: {  	_ = 	snop;
	(pc) =	sbr.ind lr, $3  }
0x3a: {  	_ = 	snop  }
0x3b: {  	_ = 	snop  }
0x3c: {  	p2 =	seq.s32 s10, $0x1;
	s10 =	sld [smem:$0x3FBB]  }
0x3d: {  	_ =	shalt  }
0x3e: {  	_ =	shalt  }
0x3f: {  	_ =	shalt  }
0x40: {  	_ =	shalt  }
0x41: {  	_ =	shalt  }
0x42: {  	_ =	shalt  }
0x43: {  	_ =	shalt  }
0x44: {  	_ =	shalt  }
0x45: {  	_ =	shalt  }
0x46: {  	_ =	shalt  }
0x47: {  	_ =	shalt  }
0x48: {  	_ =	shalt  }
0x49: {  	_ =	shalt  }
0x4a: {  	_ =	shalt  }
0x4b: {  	_ =	shalt  }
0x4c: {  	_ =	shalt  }
0x4d: {  	_ =	shalt  }
0x4e: {  	_ =	shalt  }
0x4f: {  	_ =	shalt  }
0x50: {  	_ =	shalt  }
0x51: {  	_ =	shalt  }
0x52: {  	_ =	shalt  }
0x53: {  	_ =	shalt  }
0x54: {  	_ =	shalt  }
0x55: {  	_ =	shalt  }
0x56: {  	_ =	shalt  }
0x57: {  	_ =	shalt  }
0x58: {  	_ =	shalt  }
0x59: {  	_ =	shalt  }
0x5a: {  	_ =	shalt  }
0x5b: {  	_ =	shalt  }
0x5c: {  	_ =	shalt  }
0x5d: {  	_ =	shalt  }
0x5e: {  	_ =	shalt  }
0x5f: {  	_ =	shalt  }
0x60: {  	_ =	shalt  }
0x61: {  	_ =	shalt  }
0x62: {  	_ =	shalt  }
0x63: {  	_ =	shalt  }
0x64: {  	_ =	shalt  }
0x65: {  	_ =	shalt  }
0x66: {  	_ =	shalt  }
0x67: {  	_ =	shalt  }
0x68: {  	_ =	shalt  }
0x69: {  	_ =	shalt  }
0x6a: {  	_ =	shalt  }
0x6b: {  	_ =	shalt  }
0x6c: {  	_ =	shalt  }
0x6d: {  	_ =	shalt  }
0x6e: {  	_ =	shalt  }
0x6f: {  	_ =	shalt  }
0x70: {  	_ =	shalt  }
0x71: {  	_ =	shalt  }
0x72: {  	_ =	shalt  }
0x73: {  	_ =	shalt  }
0x74: {  	_ =	shalt  }
0x75: {  	_ =	shalt  }
0x76: {  	_ =	shalt  }
0x77: {  	_ =	shalt  }
0x78: {  	_ =	shalt  }
0x79: {  	_ =	shalt  }
0x7a: {  	_ =	shalt  }
0x7b: {  	_ =	shalt  }
0x7c: {  	_ =	shalt  }
0x7d: {  	_ =	shalt  }
0x7e: {  	_ =	shalt  }
0x7f: {  	_ =	shalt  }
0x80: {  	_ =	shalt  }
0x81: {  	_ =	shalt  }
0x82: {  	_ =	shalt  }
0x83: {  	_ =	shalt  }
0x84: {  	_ =	shalt  }
0x85: {  	_ =	shalt  }
0x86: {  	_ =	shalt  }
0x87: {  	_ =	shalt  }
.Lfunc_end0:
.L_simem_size_0:
called_computation_lowered:
.L_overlay_start_0:
0x88: {  	s2 =	sld [smem:$0x3FD9]  }
0x89: {  	s3 =	sld [smem:$0x3FFE];
	_ =	sdelay $0x1  }
0x8a: {  	s1 =	srdreg.scid  }
0x8b: {  	s0 =	sand.u32 $0x1, s1  }
0x8c: {  	s21 =	sshll.u32 s0, $0xA;
	s2 =	sadd.s32 s3, s2  }
0x8d: {  	s2 =	sadd.s32 s2, s21  }
0x8e: {  	s6 =	simm.s32 $0x0;
	[smem:$0x3FC7] =	sst s2  }
0x8f: {  	[smem:$0xF] =	sst s6  }
0x90: {  	s2 =	sld [smem:$0x3FC9]  }
0x91: {  	s3 =	sld [smem:$0x3FD0];
	(tm) =	ssettm $0x1  }
0x92: {  	s4 =	sld [smem:$0x3FFB];
	_ =	sdelay $0x3  }
0x93: {  	_ =	strace s4  }
0x94: {  	s4 =	sld [smem:$0x3FFC];
	_ =	sdelay $0x3  }
0x95: {  	_ =	strace s4  }
0x96: {  	s4 =	sld [smem:$0x3FFD];
	_ =	sdelay $0x2  }
0x97: {  	s22 =	simm.s32 $0x1B8B  }
0x98: {  	s23 =	simm.s32 $0x1B8E;
	s24 =	simm.s32 $0xB;
	_ =	strace s4  }
0x99: {  	s7 =	simm.s32 $0x1F50;
	s25 =	simm.s32 $0x2090;
	_ =	strace $0x8FFFFFFF  }
0x9a: {  	s9 =	simm.s32 $0x20A0;
	s5 =	simm.s32 $0x10;
	_ =	swait.ge [sflag:s22], $0x1  }
0x9b: {  	s26 =	simm.s32 $0x20B0;
	s28 =	simm.s32 $0x20;
	[sflag:s22] =	ssyncset.done $0x0  }
0x9c: {  	s29 =	simm.s32 $0x20C0;
	s30 =	simm.s32 $0x30;
	[sflag:s22] =	ssyncadd.s32 $0xFFFFFFFF  }
0x9d: {  	s31 =	simm.s32 $0x20D0;
	s8 =	simm.s32 $0x40;
	[smem:$0x3FD2] =	sst s23  }
0x9e: {  	s10 =	simm.s32 $0x20E0;
	s11 =	simm.s32 $0x50;
	_ =	strace $0x80000046  }
0x9f: {  	[spmem:s7], [sflag:s24] =	dma.local [hbm:s2], $0x150  }
0xa0: {  	s12 =	simm.s32 $0x20F0;
	s13 =	simm.s32 $0x60;
	_ =	swait.ge [sflag:s24], $0x150  }
0xa1: {  	s14 =	simm.s32 $0x2100;
	s15 =	simm.s32 $0x70;
	[sflag:s24] =	ssyncset.done $0x0  }
0xa2: {  	s16 =	simm.s32 $0x2110;
	s2 =	simm.s32 $0xA;
	[sflag:s24] =	ssyncadd.s32 $0xFFFFFEB0  }
0xa3: {  	[spmem:s6], [sflag:s2] =	dma.local [spmem:s7], $0x10  }
0xa4: {  	[spmem:s9], [sflag:s2] =	dma.local [spmem:s25], $0x10  }
0xa5: {  	[spmem:s5], [sflag:s2] =	dma.local [spmem:s7], $0x10  }
0xa6: {  	[spmem:s26], [sflag:s2] =	dma.local [spmem:s25], $0x10  }
0xa7: {  	[spmem:s28], [sflag:s2] =	dma.local [spmem:s7], $0x10  }
0xa8: {  	[spmem:s29], [sflag:s2] =	dma.local [spmem:s25], $0x10  }
0xa9: {  	[spmem:s30], [sflag:s2] =	dma.local [spmem:s7], $0x10  }
0xaa: {  	[spmem:s31], [sflag:s2] =	dma.local [spmem:s25], $0x10  }
0xab: {  	[spmem:s8], [sflag:s2] =	dma.local [spmem:s7], $0x10  }
0xac: {  	[spmem:s10], [sflag:s2] =	dma.local [spmem:s25], $0x10  }
0xad: {  	[spmem:s11], [sflag:s2] =	dma.local [spmem:s7], $0x10  }
0xae: {  	[spmem:s12], [sflag:s2] =	dma.local [spmem:s25], $0x10  }
0xaf: {  	[spmem:s13], [sflag:s2] =	dma.local [spmem:s7], $0x10  }
0xb0: {  	[spmem:s14], [sflag:s2] =	dma.local [spmem:s25], $0x10  }
0xb1: {  	[spmem:s15], [sflag:s2] =	dma.local [spmem:s7], $0x10  }
0xb2: {  	[spmem:s16], [sflag:s2] =	dma.local [spmem:s25], $0x10  }
0xb3: {  	_ =	swait.ge [sflag:s2], $0x10  }
0xb4: {  	[sflag:s2] =	ssyncset.done $0x0  }
0xb5: {  	[sflag:s2] =	ssyncadd.s32 $0xFFFFFFF0;
	_ =	sdelay $0x2  }
0xb6: {  	_ =	swait.ge [sflag:s2], $0x10  }
0xb7: {  	[sflag:s2] =	ssyncset.done $0x0  }
0xb8: {  	[sflag:s2] =	ssyncadd.s32 $0xFFFFFFF0;
	_ =	sdelay $0x2  }
0xb9: {  	_ =	swait.ge [sflag:s2], $0x10  }
0xba: {  	[sflag:s2] =	ssyncset.done $0x0  }
0xbb: {  	[sflag:s2] =	ssyncadd.s32 $0xFFFFFFF0;
	_ =	sdelay $0x2  }
0xbc: {  	_ =	swait.ge [sflag:s2], $0x10  }
0xbd: {  	[sflag:s2] =	ssyncset.done $0x0  }
0xbe: {  	[sflag:s2] =	ssyncadd.s32 $0xFFFFFFF0;
	_ =	sdelay $0x2  }
0xbf: {  	_ =	swait.ge [sflag:s2], $0x10  }
0xc0: {  	[sflag:s2] =	ssyncset.done $0x0  }
0xc1: {  	[sflag:s2] =	ssyncadd.s32 $0xFFFFFFF0;
	_ =	sdelay $0x2  }
0xc2: {  	_ =	swait.ge [sflag:s2], $0x10  }
0xc3: {  	[sflag:s2] =	ssyncset.done $0x0  }
0xc4: {  	[sflag:s2] =	ssyncadd.s32 $0xFFFFFFF0;
	_ =	sdelay $0x2  }
0xc5: {  	_ =	swait.ge [sflag:s2], $0x10  }
0xc6: {  	[sflag:s2] =	ssyncset.done $0x0  }
0xc7: {  	[sflag:s2] =	ssyncadd.s32 $0xFFFFFFF0;
	_ =	sdelay $0x2  }
0xc8: {  	_ =	swait.ge [sflag:s2], $0x10  }
0xc9: {  	[sflag:s2] =	ssyncset.done $0x0  }
0xca: {  	[sflag:s2] =	ssyncadd.s32 $0xFFFFFFF0;
	_ =	sdelay $0x2  }
0xcb: {  	_ =	swait.ge [sflag:s2], $0x10  }
0xcc: {  	[sflag:s2] =	ssyncset.done $0x0  }
0xcd: {  	[sflag:s2] =	ssyncadd.s32 $0xFFFFFFF0;
	_ =	sdelay $0x2  }
0xce: {  	_ =	swait.ge [sflag:s2], $0x10  }
0xcf: {  	[sflag:s2] =	ssyncset.done $0x0  }
0xd0: {  	[sflag:s2] =	ssyncadd.s32 $0xFFFFFFF0;
	_ =	sdelay $0x2  }
0xd1: {  	_ =	swait.ge [sflag:s2], $0x10  }
0xd2: {  	[sflag:s2] =	ssyncset.done $0x0  }
0xd3: {  	[sflag:s2] =	ssyncadd.s32 $0xFFFFFFF0;
	_ =	sdelay $0x2  }
0xd4: {  	_ =	swait.ge [sflag:s2], $0x10  }
0xd5: {  	[sflag:s2] =	ssyncset.done $0x0  }
0xd6: {  	[sflag:s2] =	ssyncadd.s32 $0xFFFFFFF0;
	_ =	sdelay $0x2  }
0xd7: {  	_ =	swait.ge [sflag:s2], $0x10  }
0xd8: {  	[sflag:s2] =	ssyncset.done $0x0  }
0xd9: {  	[sflag:s2] =	ssyncadd.s32 $0xFFFFFFF0;
	_ =	sdelay $0x2  }
0xda: {  	_ =	swait.ge [sflag:s2], $0x10  }
0xdb: {  	[sflag:s2] =	ssyncset.done $0x0  }
0xdc: {  	[sflag:s2] =	ssyncadd.s32 $0xFFFFFFF0  }
0xdd: {  	s17 =	sshll.u32 s0, $0x15  }
0xde: {  	s4 =	sadd.s32 s17, s3  }
0xdf: {  	s5 =	sadd.s32 $0x18000, s4;
	_ =	swait.ge [sflag:s2], $0x10  }
0xe0: {  	s18 =	sadd.s32 $0x80, s5;
	[sflag:s2] =	ssyncset.done $0x0  }
0xe1: {  	s20 =	sadd.s32 $0x100, s5;
	s22 =	sadd.s32 $0x180, s5;
	[sflag:s2] =	ssyncadd.s32 $0xFFFFFFF0  }
0xe2: {  	s24 =	sadd.s32 $0x200, s5;
	s26 =	sadd.s32 $0x280, s5;
	s8 =	sadd.s32 $0x16000, s4  }
0xe3: {  	s29 =	sadd.s32 $0x300, s5;
	s31 =	sadd.s32 $0x380, s5;
	s10 =	sadd.s32 $0x80, s8  }
0xe4: {  	s19 =	sadd.s32 $0x100, s8;
	s21 =	sadd.s32 $0x180, s8;
	_ =	swait.ge [sflag:s2], $0x10  }
0xe5: {  	s23 =	sadd.s32 $0x200, s8;
	s28 =	sadd.s32 $0x300, s8;
	[sflag:s2] =	ssyncset.done $0x0  }
0xe6: {  	s30 =	sadd.s32 $0x380, s8;
	s25 =	sadd.s32 $0x280, s8;
	[sflag:s2] =	ssyncadd.s32 $0xFFFFFFF0  }
0xe7: {  	[hbm:s8], [sflag:s2] =	dma.local [spmem:s6], $0x80  }
0xe8: {  	[hbm:s5], [sflag:s2] =	dma.local [spmem:s9], $0x80  }
0xe9: {  	[hbm:s10], [sflag:s2] =	dma.local [spmem:s6], $0x80  }
0xea: {  	[hbm:s18], [sflag:s2] =	dma.local [spmem:s9], $0x80  }
0xeb: {  	[hbm:s19], [sflag:s2] =	dma.local [spmem:s6], $0x80  }
0xec: {  	[hbm:s20], [sflag:s2] =	dma.local [spmem:s9], $0x80  }
0xed: {  	[hbm:s21], [sflag:s2] =	dma.local [spmem:s6], $0x80  }
0xee: {  	[hbm:s22], [sflag:s2] =	dma.local [spmem:s9], $0x80  }
0xef: {  	[hbm:s23], [sflag:s2] =	dma.local [spmem:s6], $0x80  }
0xf0: {  	[hbm:s24], [sflag:s2] =	dma.local [spmem:s9], $0x80  }
0xf1: {  	[hbm:s25], [sflag:s2] =	dma.local [spmem:s6], $0x80  }
0xf2: {  	[hbm:s26], [sflag:s2] =	dma.local [spmem:s9], $0x80  }
0xf3: {  	[hbm:s28], [sflag:s2] =	dma.local [spmem:s6], $0x80  }
0xf4: {  	[hbm:s29], [sflag:s2] =	dma.local [spmem:s9], $0x80  }
0xf5: {  	[hbm:s30], [sflag:s2] =	dma.local [spmem:s6], $0x80  }
0xf6: {  	[hbm:s31], [sflag:s2] =	dma.local [spmem:s9], $0x80  }
0xf7: {  	_ =	swait.ge [sflag:s2], $0x80  }
0xf8: {  	[sflag:s2] =	ssyncset.done $0x0  }
0xf9: {  	[sflag:s2] =	ssyncadd.s32 $0xFFFFFF80;
	_ =	sdelay $0x2  }
0xfa: {  	_ =	swait.ge [sflag:s2], $0x80  }
0xfb: {  	[sflag:s2] =	ssyncset.done $0x0  }
0xfc: {  	[sflag:s2] =	ssyncadd.s32 $0xFFFFFF80;
	_ =	sdelay $0x2  }
0xfd: {  	_ =	swait.ge [sflag:s2], $0x80  }
0xfe: {  	[sflag:s2] =	ssyncset.done $0x0  }
0xff: {  	[sflag:s2] =	ssyncadd.s32 $0xFFFFFF80;
	_ =	sdelay $0x2  }
0x100: {  	_ =	swait.ge [sflag:s2], $0x80  }
0x101: {  	[sflag:s2] =	ssyncset.done $0x0  }
0x102: {  	[sflag:s2] =	ssyncadd.s32 $0xFFFFFF80;
	_ =	sdelay $0x2  }
0x103: {  	_ =	swait.ge [sflag:s2], $0x80  }
0x104: {  	[sflag:s2] =	ssyncset.done $0x0  }
0x105: {  	[sflag:s2] =	ssyncadd.s32 $0xFFFFFF80;
	_ =	sdelay $0x2  }
0x106: {  	_ =	swait.ge [sflag:s2], $0x80  }
0x107: {  	[sflag:s2] =	ssyncset.done $0x0  }
0x108: {  	[sflag:s2] =	ssyncadd.s32 $0xFFFFFF80;
	_ =	sdelay $0x2  }
0x109: {  	_ =	swait.ge [sflag:s2], $0x80  }
0x10a: {  	[sflag:s2] =	ssyncset.done $0x0  }
0x10b: {  	[sflag:s2] =	ssyncadd.s32 $0xFFFFFF80;
	_ =	sdelay $0x2  }
0x10c: {  	_ =	swait.ge [sflag:s2], $0x80  }
0x10d: {  	[sflag:s2] =	ssyncset.done $0x0  }
0x10e: {  	[sflag:s2] =	ssyncadd.s32 $0xFFFFFF80;
	_ =	sdelay $0x2  }
0x10f: {  	_ =	swait.ge [sflag:s2], $0x80  }
0x110: {  	[sflag:s2] =	ssyncset.done $0x0  }
0x111: {  	[sflag:s2] =	ssyncadd.s32 $0xFFFFFF80;
	_ =	sdelay $0x2  }
0x112: {  	_ =	swait.ge [sflag:s2], $0x80  }
0x113: {  	[sflag:s2] =	ssyncset.done $0x0  }
0x114: {  	[sflag:s2] =	ssyncadd.s32 $0xFFFFFF80;
	_ =	sdelay $0x2  }
0x115: {  	_ =	swait.ge [sflag:s2], $0x80  }
0x116: {  	[sflag:s2] =	ssyncset.done $0x0  }
0x117: {  	[sflag:s2] =	ssyncadd.s32 $0xFFFFFF80;
	_ =	sdelay $0x2  }
0x118: {  	_ =	swait.ge [sflag:s2], $0x80  }
0x119: {  	[sflag:s2] =	ssyncset.done $0x0  }
0x11a: {  	[sflag:s2] =	ssyncadd.s32 $0xFFFFFF80;
	_ =	sdelay $0x2  }
0x11b: {  	_ =	swait.ge [sflag:s2], $0x80  }
0x11c: {  	[sflag:s2] =	ssyncset.done $0x0  }
0x11d: {  	[sflag:s2] =	ssyncadd.s32 $0xFFFFFF80;
	_ =	sdelay $0x2  }
0x11e: {  	_ =	swait.ge [sflag:s2], $0x80  }
0x11f: {  	[sflag:s2] =	ssyncset.done $0x0  }
0x120: {  	[sflag:s2] =	ssyncadd.s32 $0xFFFFFF80;
	_ =	sdelay $0x2  }
0x121: {  	_ =	swait.ge [sflag:s2], $0x80  }
0x122: {  	[sflag:s2] =	ssyncset.done $0x0  }
0x123: {  	[sflag:s2] =	ssyncadd.s32 $0xFFFFFF80  }
0x124: {  	p0 =	seq.s32 s0, $0x1  }
.Ltmp0:
0x125: {  	_ = 	snop;
	(pc) =	sbr.rel @p0 .LBB1_4-.Ltmp0, $3  }
0x126: {  	_ =	swait.ge [sflag:s2], $0x80  }
0x127: {  	[sflag:s2] =	ssyncset.done $0x0  }
0x128: {  	[sflag:s2] =	ssyncadd.s32 $0xFFFFFF80  }
0x129: {  	s9 =	simm.s32 $0x2120;
	s15 =	simm.s32 $0x2520  }
0x12a: {  	s16 =	simm.s32 $0x2920;
	s17 =	simm.s32 $0x2D20;
	s18 =	simm.s32 $0x3120  }
0x12b: {  	s19 =	simm.s32 $0x3520;
	s20 =	simm.s32 $0x3920;
	s21 =	simm.s32 $0x3D20  }
0x12c: {  	[spmem:s9], [sflag:s2] =	dma.local [hbm:s5], $0x400  }
0x12d: {  	[spmem:s15], [sflag:s2] =	dma.local [hbm:s5], $0x400  }
0x12e: {  	[spmem:s16], [sflag:s2] =	dma.local [hbm:s5], $0x400  }
0x12f: {  	[spmem:s17], [sflag:s2] =	dma.local [hbm:s5], $0x400  }
0x130: {  	[spmem:s18], [sflag:s2] =	dma.local [hbm:s5], $0x400  }
0x131: {  	[spmem:s19], [sflag:s2] =	dma.local [hbm:s5], $0x400  }
0x132: {  	[spmem:s20], [sflag:s2] =	dma.local [hbm:s5], $0x400  }
0x133: {  	[spmem:s21], [sflag:s2] =	dma.local [hbm:s5], $0x400  }
0x134: {  	_ =	swait.ge [sflag:s2], $0x400  }
0x135: {  	[sflag:s2] =	ssyncset.done $0x0  }
0x136: {  	[sflag:s2] =	ssyncadd.s32 $0xFFFFFC00;
	_ =	sdelay $0x2  }
0x137: {  	_ =	swait.ge [sflag:s2], $0x400  }
0x138: {  	[sflag:s2] =	ssyncset.done $0x0  }
0x139: {  	[sflag:s2] =	ssyncadd.s32 $0xFFFFFC00;
	_ =	sdelay $0x2  }
0x13a: {  	_ =	swait.ge [sflag:s2], $0x400  }
0x13b: {  	[sflag:s2] =	ssyncset.done $0x0  }
0x13c: {  	[sflag:s2] =	ssyncadd.s32 $0xFFFFFC00;
	_ =	sdelay $0x2  }
0x13d: {  	_ =	swait.ge [sflag:s2], $0x400  }
0x13e: {  	[sflag:s2] =	ssyncset.done $0x0  }
0x13f: {  	[sflag:s2] =	ssyncadd.s32 $0xFFFFFC00;
	_ =	sdelay $0x2  }
0x140: {  	_ =	swait.ge [sflag:s2], $0x400  }
0x141: {  	[sflag:s2] =	ssyncset.done $0x0  }
0x142: {  	[sflag:s2] =	ssyncadd.s32 $0xFFFFFC00;
	_ =	sdelay $0x2  }
0x143: {  	_ =	swait.ge [sflag:s2], $0x400  }
0x144: {  	[sflag:s2] =	ssyncset.done $0x0  }
0x145: {  	[sflag:s2] =	ssyncadd.s32 $0xFFFFFC00  }
0x146: {  	s10 =	simm.s32 $0x1FF0  }
0x147: {  	s22 =	sadd.s32 $0x2000, s3;
	s11 =	simm.s32 $0x1FE0;
	s23 =	sadd.s32 $0x4000, s3  }
0x148: {  	s24 =	simm.s32 $0x1FD0;
	s25 =	sadd.s32 $0x6000, s3;
	_ =	swait.ge [sflag:s2], $0x400  }
0x149: {  	s26 =	simm.s32 $0x1FC0;
	s28 =	sadd.s32 $0x8000, s3;
	[sflag:s2] =	ssyncset.done $0x0  }
0x14a: {  	s29 =	simm.s32 $0x1FB0;
	s30 =	sadd.s32 $0xA000, s3;
	[sflag:s2] =	ssyncadd.s32 $0xFFFFFC00  }
0x14b: {  	s31 =	simm.s32 $0x1FA0;
	s12 =	simm.s32 $0x1F90;
	s13 =	sadd.s32 $0xE000, s3  }
0x14c: {  	s14 =	simm.s32 $0x1F80;
	s9 =	simm.s32 $0x9;
	s15 =	sadd.s32 $0x10000, s3  }
0x14d: {  	s16 =	simm.s32 $0x1F70;
	s17 =	sadd.s32 $0x12000, s3;
	_ =	swait.ge [sflag:s2], $0x400  }
0x14e: {  	s18 =	simm.s32 $0x1F60;
	s19 =	sadd.s32 $0x14000, s3;
	[sflag:s2] =	ssyncset.done $0x0  }
0x14f: {  	s20 =	simm.s32 $0x80;
	s21 =	simm.s32 $0x480;
	[sflag:s2] =	ssyncadd.s32 $0xFFFFFC00  }
0x150: {  	[hbm:s3], [sflag:s9] =	dma.local [spmem:s10], $0x2000  }
0x151: {  	[hbm:s22], [sflag:s9] =	dma.local [spmem:s11], $0x2000  }
0x152: {  	[hbm:s23], [sflag:s9] =	dma.local [spmem:s24], $0x2000  }
0x153: {  	s11 =	sadd.s32 $0xC000, s3;
	s22 =	simm.s32 $0x880;
	s23 =	simm.s32 $0xC80  }
0x154: {  	[hbm:s25], [sflag:s9] =	dma.local [spmem:s26], $0x2000  }
0x155: {  	s24 =	simm.s32 $0x1080;
	s25 =	simm.s32 $0x1480;
	s26 =	simm.s32 $0x1880  }
0x156: {  	[hbm:s28], [sflag:s9] =	dma.local [spmem:s29], $0x2000  }
0x157: {  	[hbm:s30], [sflag:s9] =	dma.local [spmem:s31], $0x2000  }
0x158: {  	s28 =	simm.s32 $0x1C80;
	s29 =	simm.s32 $0x1E80;
	s30 =	simm.s32 $0x1F00  }
0x159: {  	[hbm:s11], [sflag:s9] =	dma.local [spmem:s12], $0x2000  }
0x15a: {  	[hbm:s13], [sflag:s9] =	dma.local [spmem:s14], $0x2000  }
0x15b: {  	[hbm:s15], [sflag:s9] =	dma.local [spmem:s16], $0x2000  }
0x15c: {  	[hbm:s17], [sflag:s9] =	dma.local [spmem:s18], $0x2000  }
0x15d: {  	[hbm:s19], [sflag:s9] =	dma.local [spmem:s7], $0x2000  }
0x15e: {  	[spmem:s20], [sflag:s2] =	dma.local [hbm:s8], $0x400  }
0x15f: {  	[spmem:s21], [sflag:s2] =	dma.local [hbm:s8], $0x400  }
0x160: {  	[spmem:s22], [sflag:s2] =	dma.local [hbm:s8], $0x400  }
0x161: {  	[spmem:s23], [sflag:s2] =	dma.local [hbm:s8], $0x400  }
0x162: {  	[spmem:s24], [sflag:s2] =	dma.local [hbm:s8], $0x400  }
0x163: {  	[spmem:s25], [sflag:s2] =	dma.local [hbm:s8], $0x400  }
0x164: {  	[spmem:s26], [sflag:s2] =	dma.local [hbm:s8], $0x400  }
0x165: {  	[spmem:s28], [sflag:s2] =	dma.local [hbm:s8], $0x200  }
0x166: {  	[spmem:s29], [sflag:s2] =	dma.local [spmem:s6], $0x80  }
0x167: {  	[spmem:s30], [sflag:s2] =	dma.local [spmem:s6], $0x50  }
0x168: {  	_ =	swait.ge [sflag:s2], $0x400  }
0x169: {  	[sflag:s2] =	ssyncset.done $0x0  }
0x16a: {  	[sflag:s2] =	ssyncadd.s32 $0xFFFFFC00;
	_ =	sdelay $0x2  }
0x16b: {  	_ =	swait.ge [sflag:s2], $0x400  }
0x16c: {  	[sflag:s2] =	ssyncset.done $0x0  }
0x16d: {  	[sflag:s2] =	ssyncadd.s32 $0xFFFFFC00;
	_ =	sdelay $0x2  }
0x16e: {  	_ =	swait.ge [sflag:s2], $0x400  }
0x16f: {  	[sflag:s2] =	ssyncset.done $0x0  }
0x170: {  	[sflag:s2] =	ssyncadd.s32 $0xFFFFFC00;
	_ =	sdelay $0x2  }
0x171: {  	_ =	swait.ge [sflag:s2], $0x400  }
0x172: {  	[sflag:s2] =	ssyncset.done $0x0  }
0x173: {  	[sflag:s2] =	ssyncadd.s32 $0xFFFFFC00;
	_ =	sdelay $0x2  }
0x174: {  	_ =	swait.ge [sflag:s2], $0x400  }
0x175: {  	[sflag:s2] =	ssyncset.done $0x0  }
0x176: {  	[sflag:s2] =	ssyncadd.s32 $0xFFFFFC00;
	_ =	sdelay $0x2  }
0x177: {  	_ =	swait.ge [sflag:s2], $0x400  }
0x178: {  	[sflag:s2] =	ssyncset.done $0x0  }
0x179: {  	[sflag:s2] =	ssyncadd.s32 $0xFFFFFC00;
	_ =	sdelay $0x2  }
0x17a: {  	_ =	swait.ge [sflag:s2], $0x400  }
0x17b: {  	[sflag:s2] =	ssyncset.done $0x0  }
0x17c: {  	[sflag:s2] =	ssyncadd.s32 $0xFFFFFC00;
	_ =	sdelay $0x2  }
0x17d: {  	_ =	swait.ge [sflag:s2], $0x200  }
0x17e: {  	[sflag:s2] =	ssyncset.done $0x0  }
0x17f: {  	[sflag:s2] =	ssyncadd.s32 $0xFFFFFE00;
	_ =	sdelay $0x2  }
0x180: {  	_ =	swait.ge [sflag:s2], $0x80  }
0x181: {  	[sflag:s2] =	ssyncset.done $0x0  }
0x182: {  	[sflag:s2] =	ssyncadd.s32 $0xFFFFFF80;
	_ =	sdelay $0x2  }
0x183: {  	_ =	swait.ge [sflag:s2], $0x50  }
0x184: {  	s10 =	simm.s32 $0x3E600;
	[sflag:s2] =	ssyncset.done $0x0  }
0x185: {  	s31 =	simm.s32 $0x1F40;
	s7 =	sadd.s32 $0x16000, s3;
	[sflag:s2] =	ssyncadd.s32 $0xFFFFFFB0  }
0x186: {  	[hbm:s7], [sflag:s9] =	dma.local [spmem:s31], $0x2000  }
.LBB1_2:
0x187: {  	p0 =	sne.s32 s10, $0x20000  }
.Ltmp1:
0x188: {  	_ = 	snop;
	(pc) =	sbr.rel @p0 .LBB1_2-.Ltmp1, $3  }
0x189: {  	s11 =	sshra.s32 s10, $0x2;
	s10 =	sadd.s32 $0xFFFFFE00, s10  }
0x18a: {  	s7 =	sadd.s32 $0x2000, s7;
	s11 =	sshrl.u32 s11, $0x3  }
0x18b: {  	[hbm:s7], [sflag:s9] =	dma.local [spmem:s11], $0x2000  }
0x18c: {  	p0 =	seq.s32 s0, $0x0  }
.Ltmp2:
0x18d: {  	_ = 	snop;
	(pc) =	sbr.rel @p0 .LBB1_6-.Ltmp2, $1  }
0x18e: {  	_ =	sdelay $0x2  }
.LBB1_4:
0x18f: {  	s7 =	simm.s32 $0x80  }
0x190: {  	s9 =	simm.s32 $0x480;
	s10 =	simm.s32 $0x880;
	s11 =	simm.s32 $0xC80  }
0x191: {  	s12 =	simm.s32 $0x1080;
	s13 =	simm.s32 $0x1480;
	s14 =	simm.s32 $0x1880  }
0x192: {  	s15 =	simm.s32 $0x1C80;
	s16 =	simm.s32 $0x1E80;
	s17 =	simm.s32 $0x1F00  }
0x193: {  	[spmem:s7], [sflag:s2] =	dma.local [hbm:s8], $0x400  }
0x194: {  	[spmem:s9], [sflag:s2] =	dma.local [hbm:s8], $0x400  }
0x195: {  	[spmem:s10], [sflag:s2] =	dma.local [hbm:s8], $0x400  }
0x196: {  	[spmem:s11], [sflag:s2] =	dma.local [hbm:s8], $0x400  }
0x197: {  	[spmem:s12], [sflag:s2] =	dma.local [hbm:s8], $0x400  }
0x198: {  	[spmem:s13], [sflag:s2] =	dma.local [hbm:s8], $0x400  }
0x199: {  	[spmem:s14], [sflag:s2] =	dma.local [hbm:s8], $0x400  }
0x19a: {  	[spmem:s15], [sflag:s2] =	dma.local [hbm:s8], $0x200  }
0x19b: {  	[spmem:s16], [sflag:s2] =	dma.local [spmem:s6], $0x80  }
0x19c: {  	[spmem:s17], [sflag:s2] =	dma.local [spmem:s6], $0x50  }
0x19d: {  	_ =	swait.ge [sflag:s2], $0x400  }
0x19e: {  	[sflag:s2] =	ssyncset.done $0x0  }
0x19f: {  	[sflag:s2] =	ssyncadd.s32 $0xFFFFFC00;
	_ =	sdelay $0x2  }
0x1a0: {  	_ =	swait.ge [sflag:s2], $0x400  }
0x1a1: {  	[sflag:s2] =	ssyncset.done $0x0  }
0x1a2: {  	[sflag:s2] =	ssyncadd.s32 $0xFFFFFC00;
	_ =	sdelay $0x2  }
0x1a3: {  	_ =	swait.ge [sflag:s2], $0x400  }
0x1a4: {  	[sflag:s2] =	ssyncset.done $0x0  }
0x1a5: {  	[sflag:s2] =	ssyncadd.s32 $0xFFFFFC00;
	_ =	sdelay $0x2  }
0x1a6: {  	_ =	swait.ge [sflag:s2], $0x400  }
0x1a7: {  	[sflag:s2] =	ssyncset.done $0x0  }
0x1a8: {  	[sflag:s2] =	ssyncadd.s32 $0xFFFFFC00;
	_ =	sdelay $0x2  }
0x1a9: {  	_ =	swait.ge [sflag:s2], $0x400  }
0x1aa: {  	[sflag:s2] =	ssyncset.done $0x0  }
0x1ab: {  	[sflag:s2] =	ssyncadd.s32 $0xFFFFFC00;
	_ =	sdelay $0x2  }
0x1ac: {  	_ =	swait.ge [sflag:s2], $0x400  }
0x1ad: {  	[sflag:s2] =	ssyncset.done $0x0  }
0x1ae: {  	[sflag:s2] =	ssyncadd.s32 $0xFFFFFC00;
	_ =	sdelay $0x2  }
0x1af: {  	_ =	swait.ge [sflag:s2], $0x400  }
0x1b0: {  	[sflag:s2] =	ssyncset.done $0x0  }
0x1b1: {  	[sflag:s2] =	ssyncadd.s32 $0xFFFFFC00;
	_ =	sdelay $0x2  }
0x1b2: {  	_ =	swait.ge [sflag:s2], $0x200  }
0x1b3: {  	[sflag:s2] =	ssyncset.done $0x0  }
0x1b4: {  	[sflag:s2] =	ssyncadd.s32 $0xFFFFFE00;
	_ =	sdelay $0x2  }
0x1b5: {  	_ =	swait.ge [sflag:s2], $0x80  }
0x1b6: {  	[sflag:s2] =	ssyncset.done $0x0  }
0x1b7: {  	s18 =	sshll.u32 s0, $0x8;
	[sflag:s2] =	ssyncadd.s32 $0xFFFFFF80  }
0x1b8: {  	s19 =	sor.u32 $0xF5, s18  }
0x1b9: {  	s21 =	sor.u32 $0xF6, s18;
	s23 =	sor.u32 $0xF7, s18;
	s25 =	sor.u32 $0xF8, s18  }
0x1ba: {  	s28 =	sor.u32 $0xF9, s18;
	s9 =	sshll.u32 s19, $0x4;
	_ =	swait.ge [sflag:s2], $0x50  }
0x1bb: {  	s20 =	sshll.u32 s19, $0xD;
	s9 =	sxor.u32 $0x1FF0, s9;
	[sflag:s2] =	ssyncset.done $0x0  }
0x1bc: {  	s8 =	sadd.s32 s3, s20;
	s6 =	simm.s32 $0x9;
	[sflag:s2] =	ssyncadd.s32 $0xFFFFFFB0  }
0x1bd: {  	[hbm:s8], [sflag:s6] =	dma.local [spmem:s9], $0x2000  }
0x1be: {  	s30 =	sor.u32 $0xFA, s18;
	s22 =	sshll.u32 s21, $0xD;
	s8 =	sshll.u32 s21, $0x4  }
0x1bf: {  	s7 =	sor.u32 $0xFF, s18;
	s9 =	sadd.s32 s3, s22;
	s8 =	sxor.u32 $0x1FF0, s8  }
0x1c0: {  	[hbm:s9], [sflag:s6] =	dma.local [spmem:s8], $0x2000  }
0x1c1: {  	s24 =	sshll.u32 s23, $0xD;
	s26 =	sshll.u32 s25, $0xD;
	s8 =	sshll.u32 s23, $0x4  }
0x1c2: {  	s29 =	sshll.u32 s28, $0xD;
	s9 =	sadd.s32 s3, s24;
	s8 =	sxor.u32 $0x1FF0, s8  }
0x1c3: {  	[hbm:s9], [sflag:s6] =	dma.local [spmem:s8], $0x2000  }
0x1c4: {  	s31 =	sshll.u32 s30, $0xD;
	s10 =	sor.u32 $0xFB, s18;
	s8 =	sshll.u32 s25, $0x4  }
0x1c5: {  	s12 =	sor.u32 $0xFC, s18;
	s9 =	sadd.s32 s3, s26;
	s8 =	sxor.u32 $0x1FF0, s8  }
0x1c6: {  	[hbm:s9], [sflag:s6] =	dma.local [spmem:s8], $0x2000  }
0x1c7: {  	s11 =	sshll.u32 s10, $0xD;
	s13 =	sshll.u32 s12, $0xD;
	s8 =	sshll.u32 s28, $0x4  }
0x1c8: {  	s14 =	sor.u32 $0xFD, s18;
	s9 =	sadd.s32 s3, s29;
	s8 =	sxor.u32 $0x1FF0, s8  }
0x1c9: {  	[hbm:s9], [sflag:s6] =	dma.local [spmem:s8], $0x2000  }
0x1ca: {  	s15 =	sshll.u32 s14, $0xD;
	s20 =	simm.s32 $0x2120;
	s8 =	sshll.u32 s30, $0x4  }
0x1cb: {  	s16 =	sor.u32 $0xFE, s18;
	s9 =	sadd.s32 s3, s31;
	s8 =	sxor.u32 $0x1FF0, s8  }
0x1cc: {  	[hbm:s9], [sflag:s6] =	dma.local [spmem:s8], $0x2000  }
0x1cd: {  	s18 =	sshll.u32 s7, $0xD;
	s7 =	sshll.u32 s7, $0x4;
	s8 =	sshll.u32 s10, $0x4  }
0x1ce: {  	s17 =	sshll.u32 s16, $0xD;
	s9 =	sadd.s32 s3, s11;
	s8 =	sxor.u32 $0x1FF0, s8  }
0x1cf: {  	[hbm:s9], [sflag:s6] =	dma.local [spmem:s8], $0x2000  }
0x1d0: {  	s19 =	sadd.s32 s3, s18;
	s7 =	sxor.u32 $0x1FF0, s7;
	s8 =	sshll.u32 s12, $0x4  }
0x1d1: {  	s21 =	simm.s32 $0x2520;
	s9 =	sadd.s32 s3, s13;
	s8 =	sxor.u32 $0x1FF0, s8  }
0x1d2: {  	[hbm:s9], [sflag:s6] =	dma.local [spmem:s8], $0x2000  }
0x1d3: {  	s22 =	simm.s32 $0x2920;
	s23 =	simm.s32 $0x2D20;
	s8 =	sshll.u32 s14, $0x4  }
0x1d4: {  	s24 =	simm.s32 $0x3120;
	s9 =	sadd.s32 s3, s15;
	s8 =	sxor.u32 $0x1FF0, s8  }
0x1d5: {  	[hbm:s9], [sflag:s6] =	dma.local [spmem:s8], $0x2000  }
0x1d6: {  	s25 =	simm.s32 $0x3520;
	s26 =	simm.s32 $0x3920;
	s8 =	sshll.u32 s16, $0x4  }
0x1d7: {  	s28 =	simm.s32 $0x3D20;
	s9 =	sadd.s32 s3, s17;
	s8 =	sxor.u32 $0x1FF0, s8  }
0x1d8: {  	[hbm:s9], [sflag:s6] =	dma.local [spmem:s8], $0x2000  }
0x1d9: {  	[hbm:s19], [sflag:s6] =	dma.local [spmem:s7], $0x2000  }
0x1da: {  	[spmem:s20], [sflag:s2] =	dma.local [hbm:s5], $0x400  }
0x1db: {  	[spmem:s21], [sflag:s2] =	dma.local [hbm:s5], $0x400  }
0x1dc: {  	[spmem:s22], [sflag:s2] =	dma.local [hbm:s5], $0x400  }
0x1dd: {  	[spmem:s23], [sflag:s2] =	dma.local [hbm:s5], $0x400  }
0x1de: {  	[spmem:s24], [sflag:s2] =	dma.local [hbm:s5], $0x400  }
0x1df: {  	[spmem:s25], [sflag:s2] =	dma.local [hbm:s5], $0x400  }
0x1e0: {  	[spmem:s26], [sflag:s2] =	dma.local [hbm:s5], $0x400  }
0x1e1: {  	[spmem:s28], [sflag:s2] =	dma.local [hbm:s5], $0x400  }
0x1e2: {  	_ =	swait.ge [sflag:s2], $0x400  }
0x1e3: {  	[sflag:s2] =	ssyncset.done $0x0  }
0x1e4: {  	[sflag:s2] =	ssyncadd.s32 $0xFFFFFC00;
	_ =	sdelay $0x2  }
0x1e5: {  	_ =	swait.ge [sflag:s2], $0x400  }
0x1e6: {  	[sflag:s2] =	ssyncset.done $0x0  }
0x1e7: {  	[sflag:s2] =	ssyncadd.s32 $0xFFFFFC00;
	_ =	sdelay $0x2  }
0x1e8: {  	_ =	swait.ge [sflag:s2], $0x400  }
0x1e9: {  	[sflag:s2] =	ssyncset.done $0x0  }
0x1ea: {  	[sflag:s2] =	ssyncadd.s32 $0xFFFFFC00;
	_ =	sdelay $0x2  }
0x1eb: {  	_ =	swait.ge [sflag:s2], $0x400  }
0x1ec: {  	[sflag:s2] =	ssyncset.done $0x0  }
0x1ed: {  	[sflag:s2] =	ssyncadd.s32 $0xFFFFFC00;
	_ =	sdelay $0x2  }
0x1ee: {  	_ =	swait.ge [sflag:s2], $0x400  }
0x1ef: {  	[sflag:s2] =	ssyncset.done $0x0  }
0x1f0: {  	[sflag:s2] =	ssyncadd.s32 $0xFFFFFC00;
	_ =	sdelay $0x2  }
0x1f1: {  	_ =	swait.ge [sflag:s2], $0x400  }
0x1f2: {  	[sflag:s2] =	ssyncset.done $0x0  }
0x1f3: {  	[sflag:s2] =	ssyncadd.s32 $0xFFFFFC00;
	_ =	sdelay $0x2  }
0x1f4: {  	_ =	swait.ge [sflag:s2], $0x400  }
0x1f5: {  	[sflag:s2] =	ssyncset.done $0x0  }
0x1f6: {  	[sflag:s2] =	ssyncadd.s32 $0xFFFFFC00;
	_ =	sdelay $0x1  }
0x1f7: {  	s29 =	sshll.u32 s0, $0xF  }
0x1f8: {  	s3 =	sxor.u32 $0xFF80, s29;
	_ =	swait.ge [sflag:s2], $0x400  }
0x1f9: {  	s30 =	sadd.s32 $0x0, s3;
	[sflag:s2] =	ssyncset.done $0x0  }
0x1fa: {  	s31 =	sshrl.u32 s30, $0x3;
	[sflag:s2] =	ssyncadd.s32 $0xFFFFFC00;
	s2 =	simm.s32 $0xFFFFFE00  }
0x1fb: {  	[hbm:s4], [sflag:s6] =	dma.local [spmem:s31], $0x2000  }
.LBB1_5:
0x1fc: {  	p0 =	sne.s32 s2, $0xFFFE1800  }
.Ltmp3:
0x1fd: {  	s5 =	sshra.s32 s2, $0x2;
	(pc) =	sbr.rel @p0 .LBB1_5-.Ltmp3, $3  }
0x1fe: {  	s5 =	sadd.s32 s5, s3  }
0x1ff: {  	s2 =	sadd.s32 $0xFFFFFE00, s2;
	s4 =	sadd.s32 $0x2000, s4;
	s5 =	sshrl.u32 s5, $0x3  }
0x200: {  	[hbm:s4], [sflag:s6] =	dma.local [spmem:s5], $0x2000  }
.LBB1_6:
0x201: {  	_ = 	snop  }
0x202: {  	s2 =	simm.s32 $0x9  }
0x203: {  	_ =	swait.ge [sflag:s2], $0x2000  }
0x204: {  	s3 =	simm.s32 $0xFF;
	[sflag:s2] =	ssyncset.done $0x0  }
.LBB1_7:
0x205: {  	p0 =	sne.s32 s3, $0x1;
	s3 =	sadd.s32 $0xFFFFFFFF, s3;
	[sflag:s2] =	ssyncadd.s32 $0xFFFFE000  }
.Ltmp4:
0x206: {  	(pc) =	sbr.rel @p0 .LBB1_7-.Ltmp4, $3  }
0x207: {  	_ = 	snop  }
0x208: {  	_ =	swait.ge [sflag:s2], $0x2000  }
0x209: {  	[sflag:s2] =	ssyncset.done $0x0  }
0x20a: {  	[sflag:s2] =	ssyncadd.s32 $0xFFFFE000  }
0x20b: {  	_ =	strace $0x90000046  }
0x20c: {  	_ =	sfence  }
0x20d: {  	s30 =	sld [smem:$0x0];
	_ =	sdelay $0x2  }
0x20e: {  	s3 =	sshll.u32 s1, $0xD;
	s31 =	sshrl.u32 s1, $0x2  }
0x20f: {  	s3 =	sand.u32 $0x4000, s3;
	s1 =	sadd.s32 s31, s30  }
0x210: {  	s0 =	sor.u32 s3, s0;
	s1 =	sshll.u32 s1, $0x11  }
0x211: {  	s0 =	sor.u32 s1, s0  }
0x212: {  	s0 =	sadd.s32 $0x8F2B, s0;
	(pc) =	sbr.abs _section_cstart, $3  }
0x213: {  	[sflag:s0] =	ssyncadd.remote.s32 $0x1  }
0x214: {  	_ =	strace $0x9FFFFFFF  }
0x215: {  	(tm) =	ssettm $0x7FFFFFFF  }

</sc_bundles>
